<compile_context>
chip_gen: v7x
topology: tpu7x:2x2x1
jax: 0.10.2.dev20260603
libtpu: 0.0.44.dev20260713+nightly
codegen_flags: <defaults>
</compile_context>

<pallas_src>
import functools

import jax
import jax.numpy as jnp
from jax import lax
from jax.experimental import pallas as pl
from jax.experimental.pallas import tpu as pltpu
from jax.experimental.pallas import tpu_sc as plsc

D = 64
H1 = 128
H2 = 256
IDX_CHUNK = 128


def _make_sc_gather(B, NC, NS):
    NW = NC * NS
    b_per_w = B // NW
    n_chunks = b_per_w // IDX_CHUNK
    mesh = plsc.VectorSubcoreMesh(core_axis_name="c", subcore_axis_name="s")

    @functools.partial(
        pl.kernel,
        mesh=mesh,
        compiler_params=pltpu.CompilerParams(use_tc_tiling_on_sc=False),
        out_type=(
            jax.ShapeDtypeStruct((B, D), jnp.float32),
            jax.ShapeDtypeStruct((B, D), jnp.float32),
            jax.ShapeDtypeStruct((B,), jnp.float32),
            jax.ShapeDtypeStruct((B,), jnp.float32),
        ),
        scratch_types=[
            tuple(pltpu.VMEM((IDX_CHUNK,), jnp.int32) for _ in range(n_chunks)),
            tuple(pltpu.VMEM((IDX_CHUNK,), jnp.int32) for _ in range(n_chunks)),
            pltpu.VMEM((b_per_w, D), jnp.float32),
            pltpu.VMEM((b_per_w, D), jnp.float32),
            pltpu.VMEM((b_per_w,), jnp.float32),
            pltpu.VMEM((b_per_w,), jnp.float32),
            pltpu.SemaphoreType.DMA,
        ],
    )
    def gather_k(uid_hbm, iid_hbm, ue_hbm, ie_hbm, ub_hbm, ib_hbm,
                 u_out, i_out, ub_out, ib_out,
                 uidx_bufs, iidx_bufs, u_v, i_v, ubv, ibv, sem):
        wid = lax.axis_index("s") * NC + lax.axis_index("c")
        base = wid * b_per_w
        for j in range(n_chunks):
            sl = pl.ds(base + j * IDX_CHUNK, IDX_CHUNK)
            pltpu.sync_copy(uid_hbm.at[sl], uidx_bufs[j])
            pltpu.sync_copy(iid_hbm.at[sl], iidx_bufs[j])
        copies = []
        for j in range(n_chunks):
            sl = pl.ds(j * IDX_CHUNK, IDX_CHUNK)
            copies.append(pltpu.async_copy(ue_hbm.at[uidx_bufs[j]], u_v.at[sl], sem))
            copies.append(pltpu.async_copy(ie_hbm.at[iidx_bufs[j]], i_v.at[sl], sem))
            copies.append(pltpu.async_copy(ub_hbm.at[uidx_bufs[j]], ubv.at[sl], sem))
            copies.append(pltpu.async_copy(ib_hbm.at[iidx_bufs[j]], ibv.at[sl], sem))
        for c in copies:
            c.wait()
        pltpu.sync_copy(u_v, u_out.at[pl.ds(base, b_per_w)])
        pltpu.sync_copy(i_v, i_out.at[pl.ds(base, b_per_w)])
        pltpu.sync_copy(ubv, ub_out.at[pl.ds(base, b_per_w)])
        pltpu.sync_copy(ibv, ib_out.at[pl.ds(base, b_per_w)])

    return gather_k


def _mlp_body(u_ref, i_ref, ub_ref, ib_ref, w1_ref, b1_ref, w2_ref, b2_ref,
              wl_ref, bl_ref, o_ref):
    h = (u_ref[...] + i_ref[...]) * 0.5
    h = jnp.dot(h, w1_ref[...], preferred_element_type=jnp.float32,
                precision=lax.Precision.HIGHEST) + b1_ref[...]
    h = jnp.maximum(h, 0.0)
    h = jnp.dot(h, w2_ref[...], preferred_element_type=jnp.float32,
                precision=lax.Precision.HIGHEST) + b2_ref[...]
    h = jnp.maximum(h, 0.0)
    o = jnp.dot(h, wl_ref[...], preferred_element_type=jnp.float32,
                precision=lax.Precision.HIGHEST)
    o_ref[...] = o + bl_ref[...] + ub_ref[...] + ib_ref[...]


def kernel(x, Ue, Ub, Ie, Ib, W1, b1, W2, b2, Wl, bl):
    B = x.shape[0]
    info = plsc.get_sparse_core_info()
    NC, NS = info.num_cores, info.num_subcores
    uid = x[:, 0]
    iid = x[:, 1]

    u, i, ubg, ibg = _make_sc_gather(B, NC, NS)(
        uid, iid, Ue, Ie, Ub.reshape(-1), Ib.reshape(-1))
    ubg = ubg.reshape(B, 1)
    ibg = ibg.reshape(B, 1)

    BLK = 2048
    out = pl.pallas_call(
        _mlp_body,
        grid=(B // BLK,),
        in_specs=[
            pl.BlockSpec((BLK, D), lambda g: (g, 0)),
            pl.BlockSpec((BLK, D), lambda g: (g, 0)),
            pl.BlockSpec((BLK, 1), lambda g: (g, 0)),
            pl.BlockSpec((BLK, 1), lambda g: (g, 0)),
            pl.BlockSpec((D, H1), lambda g: (0, 0)),
            pl.BlockSpec((1, H1), lambda g: (0, 0)),
            pl.BlockSpec((H1, H2), lambda g: (0, 0)),
            pl.BlockSpec((1, H2), lambda g: (0, 0)),
            pl.BlockSpec((H2, 1), lambda g: (0, 0)),
            pl.BlockSpec((1, 1), lambda g: (0, 0)),
        ],
        out_specs=pl.BlockSpec((BLK, 1), lambda g: (g, 0)),
        out_shape=jax.ShapeDtypeStruct((B, 1), jnp.float32),
    )(u, i, ubg, ibg, W1, b1.reshape(1, H1), W2, b2.reshape(1, H2), Wl,
      bl.reshape(1, 1))
    return out

# --- scband reference (transcript-rebuilt; emitter-appended) ---
"""Pipeline reference for scband-net-22230750724336 (READ-ONLY COPY).

The authoritative reference and input builder live on the scoring server;
editing this copy changes nothing except your own understanding.
"""

import jax, jax.numpy as jnp
import numpy as np

N_USERS = 1000000
N_ITEMS = 100000
D = 64
H1 = 128
H2 = 256
B = 16384


def setup_inputs(seed: int = 0) -> dict:
    key = jax.random.key(seed)
    ks = jax.random.split(key, 12)
    # indices: x[:,0]=user_id, x[:,1]=item_id; both drawn < 100000 so in-range for both tables
    x = jax.random.randint(ks[0], (B, 2), 0, 100000).astype(jnp.int32)
    Ue = jax.random.normal(ks[1], (N_USERS, D), dtype=jnp.float32) * 0.05
    Ub = jax.random.normal(ks[2], (N_USERS, 1), dtype=jnp.float32) * 0.05
    Ie = jax.random.normal(ks[3], (N_ITEMS, D), dtype=jnp.float32) * 0.05
    Ib = jax.random.normal(ks[4], (N_ITEMS, 1), dtype=jnp.float32) * 0.05
    W1 = jax.random.normal(ks[5], (D, H1), dtype=jnp.float32) * (1.0 / np.sqrt(D))
    b1 = jnp.zeros((H1,), dtype=jnp.float32)
    W2 = jax.random.normal(ks[6], (H1, H2), dtype=jnp.float32) * (1.0 / np.sqrt(H1))
    b2 = jnp.zeros((H2,), dtype=jnp.float32)
    Wl = jax.random.normal(ks[7], (H2, 1), dtype=jnp.float32) * (1.0 / np.sqrt(H2))
    bl = jnp.zeros((1,), dtype=jnp.float32)
    return {"x": x, "Ue": Ue, "Ub": Ub, "Ie": Ie, "Ib": Ib,
            "W1": W1, "b1": b1, "W2": W2, "b2": b2, "Wl": Wl, "bl": bl}


def reference(x, Ue, Ub, Ie, Ib, W1, b1, W2, b2, Wl, bl):
    # forward in eval mode: dropout layers are identity
    uid = x[:, 0]
    iid = x[:, 1]
    user_emb = jnp.take(Ue, uid, axis=0)
    item_emb = jnp.take(Ie, iid, axis=0)
    u_bias = jnp.take(Ub, uid, axis=0)
    i_bias = jnp.take(Ib, iid, axis=0)
    h = (user_emb + item_emb) / 2.0
    h = jax.nn.relu(h @ W1 + b1)
    h = jax.nn.relu(h @ W2 + b2)
    out = h @ Wl + bl + u_bias + i_bias
    return out

if __name__ == "__main__":
    import jax
    _d = setup_inputs()
    print(jax.jit(kernel)(*tuple(_d.values())))

</pallas_src>

<mosaic_0001>
#map = affine_map<(d0, d1) -> (0)>
#map1 = affine_map<(d0, d1) -> (0, 0)>
module attributes {stable_mosaic.version = 14 : i64} {
  func.func @gather_k(%arg0: i32, %arg1: i32, %arg2: memref<16384xi32, #tpu.memory_space<hbm>>, %arg3: memref<16384xi32, #tpu.memory_space<hbm>>, %arg4: memref<1000000x64xf32, #tpu.memory_space<hbm>>, %arg5: memref<100000x64xf32, #tpu.memory_space<hbm>>, %arg6: memref<1000000xf32, #tpu.memory_space<hbm>>, %arg7: memref<100000xf32, #tpu.memory_space<hbm>>, %arg8: memref<16384x64xf32, #tpu.memory_space<hbm>>, %arg9: memref<16384x64xf32, #tpu.memory_space<hbm>>, %arg10: memref<16384xf32, #tpu.memory_space<hbm>>, %arg11: memref<16384xf32, #tpu.memory_space<hbm>>, %arg12: memref<128xi32, #tpu.memory_space<vmem>>, %arg13: memref<128xi32, #tpu.memory_space<vmem>>, %arg14: memref<128xi32, #tpu.memory_space<vmem>>, %arg15: memref<128xi32, #tpu.memory_space<vmem>>, %arg16: memref<128xi32, #tpu.memory_space<vmem>>, %arg17: memref<128xi32, #tpu.memory_space<vmem>>, %arg18: memref<128xi32, #tpu.memory_space<vmem>>, %arg19: memref<128xi32, #tpu.memory_space<vmem>>, %arg20: memref<512x64xf32, #tpu.memory_space<vmem>>, %arg21: memref<512x64xf32, #tpu.memory_space<vmem>>, %arg22: memref<512xf32, #tpu.memory_space<vmem>>, %arg23: memref<512xf32, #tpu.memory_space<vmem>>, %arg24: memref<!tpu.dma_semaphore, #tpu.memory_space<semaphore_mem>>) attributes {dimension_semantics = [#tpu.dimension_semantics<core_parallel>, #tpu.dimension_semantics<subcore_parallel>], iteration_bounds = array<i64: 2, 16>, scalar_prefetch = 0 : i64, scratch_operands = 13 : i64, tpu.core_type = #tpu.core_type<sc_vector_subcore>, window_params = [{transform_indices = #map}, {transform_indices = #map}, {transform_indices = #map1}, {transform_indices = #map1}, {transform_indices = #map}, {transform_indices = #map}, {transform_indices = #map1}, {transform_indices = #map1}, {transform_indices = #map}, {transform_indices = #map}]} {
    %mul3A = arith.constant 2 : i32
    %mul3A_0 = arith.muli %arg1, %mul3A : i32
    %add3A = arith.addi %mul3A_0, %arg0 : i32
    %mul3A_1 = arith.constant 512 : i32
    %mul3A_2 = arith.muli %add3A, %mul3A_1 : i32
    %add3A_3 = arith.constant 0 : i32
    %add3A_4 = arith.addi %mul3A_2, %add3A_3 : i32
    "tpu.region"() ({
      %run_scoped3A = tpu.sem_alloc : memref<!tpu.dma_semaphore, #tpu.memory_space<semaphore_mem>>
      %dma_start3A_169 = tpu.memref_slice %arg2[%add3A_4] : memref<16384xi32, #tpu.memory_space<hbm>> -> memref<128xi32, #tpu.memory_space<hbm>>
      %dma_start3A_170 = tpu.memref_slice %arg2[%add3A_4] : memref<16384xi32, #tpu.memory_space<hbm>> -> memref<128xi32, #tpu.memory_space<hbm>>
      tpu.enqueue_dma source(%dma_start3A_170 : memref<128xi32, #tpu.memory_space<hbm>>) target(%arg12 : memref<128xi32, #tpu.memory_space<vmem>>) target_semaphore(%run_scoped3A : memref<!tpu.dma_semaphore, #tpu.memory_space<semaphore_mem>>)
      %dma_wait3A_171 = tpu.memref_slice %arg2[%add3A_4] : memref<16384xi32, #tpu.memory_space<hbm>> -> memref<128xi32, #tpu.memory_space<hbm>>
      %dma_wait3A_172 = tpu.memref_slice %arg2[%add3A_4] : memref<16384xi32, #tpu.memory_space<hbm>> -> memref<128xi32, #tpu.memory_space<hbm>>
      tpu.wait_dma2 semaphore(%run_scoped3A : memref<!tpu.dma_semaphore, #tpu.memory_space<semaphore_mem>>) src(%dma_wait3A_172 : memref<128xi32, #tpu.memory_space<hbm>>) dst(%arg12 : memref<128xi32, #tpu.memory_space<vmem>>)
      tpu.yield
    }) : () -> ()
    "tpu.region"() ({
      %run_scoped3A = tpu.sem_alloc : memref<!tpu.dma_semaphore, #tpu.memory_space<semaphore_mem>>
      %dma_start3A_169 = tpu.memref_slice %arg3[%add3A_4] : memref<16384xi32, #tpu.memory_space<hbm>> -> memref<128xi32, #tpu.memory_space<hbm>>
      %dma_start3A_170 = tpu.memref_slice %arg3[%add3A_4] : memref<16384xi32, #tpu.memory_space<hbm>> -> memref<128xi32, #tpu.memory_space<hbm>>
      tpu.enqueue_dma source(%dma_start3A_170 : memref<128xi32, #tpu.memory_space<hbm>>) target(%arg16 : memref<128xi32, #tpu.memory_space<vmem>>) target_semaphore(%run_scoped3A : memref<!tpu.dma_semaphore, #tpu.memory_space<semaphore_mem>>)
      %dma_wait3A_171 = tpu.memref_slice %arg3[%add3A_4] : memref<16384xi32, #tpu.memory_space<hbm>> -> memref<128xi32, #tpu.memory_space<hbm>>
      %dma_wait3A_172 = tpu.memref_slice %arg3[%add3A_4] : memref<16384xi32, #tpu.memory_space<hbm>> -> memref<128xi32, #tpu.memory_space<hbm>>
      tpu.wait_dma2 semaphore(%run_scoped3A : memref<!tpu.dma_semaphore, #tpu.memory_space<semaphore_mem>>) src(%dma_wait3A_172 : memref<128xi32, #tpu.memory_space<hbm>>) dst(%arg16 : memref<128xi32, #tpu.memory_space<vmem>>)
      tpu.yield
    }) : () -> ()
    %add3A_5 = arith.constant 128 : i32
    %add3A_6 = arith.addi %mul3A_2, %add3A_5 : i32
    "tpu.region"() ({
      %run_scoped3A = tpu.sem_alloc : memref<!tpu.dma_semaphore, #tpu.memory_space<semaphore_mem>>
      %dma_start3A_169 = tpu.memref_slice %arg2[%add3A_6] : memref<16384xi32, #tpu.memory_space<hbm>> -> memref<128xi32, #tpu.memory_space<hbm>>
      %dma_start3A_170 = tpu.memref_slice %arg2[%add3A_6] : memref<16384xi32, #tpu.memory_space<hbm>> -> memref<128xi32, #tpu.memory_space<hbm>>
      tpu.enqueue_dma source(%dma_start3A_170 : memref<128xi32, #tpu.memory_space<hbm>>) target(%arg13 : memref<128xi32, #tpu.memory_space<vmem>>) target_semaphore(%run_scoped3A : memref<!tpu.dma_semaphore, #tpu.memory_space<semaphore_mem>>)
      %dma_wait3A_171 = tpu.memref_slice %arg2[%add3A_6] : memref<16384xi32, #tpu.memory_space<hbm>> -> memref<128xi32, #tpu.memory_space<hbm>>
      %dma_wait3A_172 = tpu.memref_slice %arg2[%add3A_6] : memref<16384xi32, #tpu.memory_space<hbm>> -> memref<128xi32, #tpu.memory_space<hbm>>
      tpu.wait_dma2 semaphore(%run_scoped3A : memref<!tpu.dma_semaphore, #tpu.memory_space<semaphore_mem>>) src(%dma_wait3A_172 : memref<128xi32, #tpu.memory_space<hbm>>) dst(%arg13 : memref<128xi32, #tpu.memory_space<vmem>>)
      tpu.yield
    }) : () -> ()
    "tpu.region"() ({
      %run_scoped3A = tpu.sem_alloc : memref<!tpu.dma_semaphore, #tpu.memory_space<semaphore_mem>>
      %dma_start3A_169 = tpu.memref_slice %arg3[%add3A_6] : memref<16384xi32, #tpu.memory_space<hbm>> -> memref<128xi32, #tpu.memory_space<hbm>>
      %dma_start3A_170 = tpu.memref_slice %arg3[%add3A_6] : memref<16384xi32, #tpu.memory_space<hbm>> -> memref<128xi32, #tpu.memory_space<hbm>>
      tpu.enqueue_dma source(%dma_start3A_170 : memref<128xi32, #tpu.memory_space<hbm>>) target(%arg17 : memref<128xi32, #tpu.memory_space<vmem>>) target_semaphore(%run_scoped3A : memref<!tpu.dma_semaphore, #tpu.memory_space<semaphore_mem>>)
      %dma_wait3A_171 = tpu.memref_slice %arg3[%add3A_6] : memref<16384xi32, #tpu.memory_space<hbm>> -> memref<128xi32, #tpu.memory_space<hbm>>
      %dma_wait3A_172 = tpu.memref_slice %arg3[%add3A_6] : memref<16384xi32, #tpu.memory_space<hbm>> -> memref<128xi32, #tpu.memory_space<hbm>>
      tpu.wait_dma2 semaphore(%run_scoped3A : memref<!tpu.dma_semaphore, #tpu.memory_space<semaphore_mem>>) src(%dma_wait3A_172 : memref<128xi32, #tpu.memory_space<hbm>>) dst(%arg17 : memref<128xi32, #tpu.memory_space<vmem>>)
      tpu.yield
    }) : () -> ()
    %add3A_7 = arith.constant 256 : i32
    %add3A_8 = arith.addi %mul3A_2, %add3A_7 : i32
    "tpu.region"() ({
      %run_scoped3A = tpu.sem_alloc : memref<!tpu.dma_semaphore, #tpu.memory_space<semaphore_mem>>
      %dma_start3A_169 = tpu.memref_slice %arg2[%add3A_8] : memref<16384xi32, #tpu.memory_space<hbm>> -> memref<128xi32, #tpu.memory_space<hbm>>
      %dma_start3A_170 = tpu.memref_slice %arg2[%add3A_8] : memref<16384xi32, #tpu.memory_space<hbm>> -> memref<128xi32, #tpu.memory_space<hbm>>
      tpu.enqueue_dma source(%dma_start3A_170 : memref<128xi32, #tpu.memory_space<hbm>>) target(%arg14 : memref<128xi32, #tpu.memory_space<vmem>>) target_semaphore(%run_scoped3A : memref<!tpu.dma_semaphore, #tpu.memory_space<semaphore_mem>>)
      %dma_wait3A_171 = tpu.memref_slice %arg2[%add3A_8] : memref<16384xi32, #tpu.memory_space<hbm>> -> memref<128xi32, #tpu.memory_space<hbm>>
      %dma_wait3A_172 = tpu.memref_slice %arg2[%add3A_8] : memref<16384xi32, #tpu.memory_space<hbm>> -> memref<128xi32, #tpu.memory_space<hbm>>
      tpu.wait_dma2 semaphore(%run_scoped3A : memref<!tpu.dma_semaphore, #tpu.memory_space<semaphore_mem>>) src(%dma_wait3A_172 : memref<128xi32, #tpu.memory_space<hbm>>) dst(%arg14 : memref<128xi32, #tpu.memory_space<vmem>>)
      tpu.yield
    }) : () -> ()
    "tpu.region"() ({
      %run_scoped3A = tpu.sem_alloc : memref<!tpu.dma_semaphore, #tpu.memory_space<semaphore_mem>>
      %dma_start3A_169 = tpu.memref_slice %arg3[%add3A_8] : memref<16384xi32, #tpu.memory_space<hbm>> -> memref<128xi32, #tpu.memory_space<hbm>>
      %dma_start3A_170 = tpu.memref_slice %arg3[%add3A_8] : memref<16384xi32, #tpu.memory_space<hbm>> -> memref<128xi32, #tpu.memory_space<hbm>>
      tpu.enqueue_dma source(%dma_start3A_170 : memref<128xi32, #tpu.memory_space<hbm>>) target(%arg18 : memref<128xi32, #tpu.memory_space<vmem>>) target_semaphore(%run_scoped3A : memref<!tpu.dma_semaphore, #tpu.memory_space<semaphore_mem>>)
      %dma_wait3A_171 = tpu.memref_slice %arg3[%add3A_8] : memref<16384xi32, #tpu.memory_space<hbm>> -> memref<128xi32, #tpu.memory_space<hbm>>
      %dma_wait3A_172 = tpu.memref_slice %arg3[%add3A_8] : memref<16384xi32, #tpu.memory_space<hbm>> -> memref<128xi32, #tpu.memory_space<hbm>>
      tpu.wait_dma2 semaphore(%run_scoped3A : memref<!tpu.dma_semaphore, #tpu.memory_space<semaphore_mem>>) src(%dma_wait3A_172 : memref<128xi32, #tpu.memory_space<hbm>>) dst(%arg18 : memref<128xi32, #tpu.memory_space<vmem>>)
      tpu.yield
    }) : () -> ()
    %add3A_9 = arith.constant 384 : i32
    %add3A_10 = arith.addi %mul3A_2, %add3A_9 : i32
    "tpu.region"() ({
      %run_scoped3A = tpu.sem_alloc : memref<!tpu.dma_semaphore, #tpu.memory_space<semaphore_mem>>
      %dma_start3A_169 = tpu.memref_slice %arg2[%add3A_10] : memref<16384xi32, #tpu.memory_space<hbm>> -> memref<128xi32, #tpu.memory_space<hbm>>
      %dma_start3A_170 = tpu.memref_slice %arg2[%add3A_10] : memref<16384xi32, #tpu.memory_space<hbm>> -> memref<128xi32, #tpu.memory_space<hbm>>
      tpu.enqueue_dma source(%dma_start3A_170 : memref<128xi32, #tpu.memory_space<hbm>>) target(%arg15 : memref<128xi32, #tpu.memory_space<vmem>>) target_semaphore(%run_scoped3A : memref<!tpu.dma_semaphore, #tpu.memory_space<semaphore_mem>>)
      %dma_wait3A_171 = tpu.memref_slice %arg2[%add3A_10] : memref<16384xi32, #tpu.memory_space<hbm>> -> memref<128xi32, #tpu.memory_space<hbm>>
      %dma_wait3A_172 = tpu.memref_slice %arg2[%add3A_10] : memref<16384xi32, #tpu.memory_space<hbm>> -> memref<128xi32, #tpu.memory_space<hbm>>
      tpu.wait_dma2 semaphore(%run_scoped3A : memref<!tpu.dma_semaphore, #tpu.memory_space<semaphore_mem>>) src(%dma_wait3A_172 : memref<128xi32, #tpu.memory_space<hbm>>) dst(%arg15 : memref<128xi32, #tpu.memory_space<vmem>>)
      tpu.yield
    }) : () -> ()
    "tpu.region"() ({
      %run_scoped3A = tpu.sem_alloc : memref<!tpu.dma_semaphore, #tpu.memory_space<semaphore_mem>>
      %dma_start3A_169 = tpu.memref_slice %arg3[%add3A_10] : memref<16384xi32, #tpu.memory_space<hbm>> -> memref<128xi32, #tpu.memory_space<hbm>>
      %dma_start3A_170 = tpu.memref_slice %arg3[%add3A_10] : memref<16384xi32, #tpu.memory_space<hbm>> -> memref<128xi32, #tpu.memory_space<hbm>>
      tpu.enqueue_dma source(%dma_start3A_170 : memref<128xi32, #tpu.memory_space<hbm>>) target(%arg19 : memref<128xi32, #tpu.memory_space<vmem>>) target_semaphore(%run_scoped3A : memref<!tpu.dma_semaphore, #tpu.memory_space<semaphore_mem>>)
      %dma_wait3A_171 = tpu.memref_slice %arg3[%add3A_10] : memref<16384xi32, #tpu.memory_space<hbm>> -> memref<128xi32, #tpu.memory_space<hbm>>
      %dma_wait3A_172 = tpu.memref_slice %arg3[%add3A_10] : memref<16384xi32, #tpu.memory_space<hbm>> -> memref<128xi32, #tpu.memory_space<hbm>>
      tpu.wait_dma2 semaphore(%run_scoped3A : memref<!tpu.dma_semaphore, #tpu.memory_space<semaphore_mem>>) src(%dma_wait3A_172 : memref<128xi32, #tpu.memory_space<hbm>>) dst(%arg19 : memref<128xi32, #tpu.memory_space<vmem>>)
      tpu.yield
    }) : () -> ()
    %dma_start3A = arith.constant 0 : i32
    %dma_start3A_11 = arith.constant 0 : i32
    %dma_start3A_12 = tpu.memref_slice %arg20[%dma_start3A, %dma_start3A_11] : memref<512x64xf32, #tpu.memory_space<vmem>> -> memref<128x64xf32, #tpu.memory_space<vmem>>
    %dma_start3A_13 = arith.constant 0 : i32
    %dma_start3A_14 = arith.constant 0 : i32
    %dma_start3A_15 = tpu.memref_slice %arg4[%dma_start3A_13, %dma_start3A_14] : memref<1000000x64xf32, #tpu.memory_space<hbm>> -> memref<1000000x64xf32, #tpu.memory_space<hbm>>
    tpu.enqueue_indirect_dma source(%dma_start3A_15 : memref<1000000x64xf32, #tpu.memory_space<hbm>>) target(%dma_start3A_12 : memref<128x64xf32, #tpu.memory_space<vmem>>) offsets(%arg12 : memref<128xi32, #tpu.memory_space<vmem>>) semaphore(%arg24 : memref<!tpu.dma_semaphore, #tpu.memory_space<semaphore_mem>>)
    %dma_start3A_16 = arith.constant 0 : i32
    %dma_start3A_17 = arith.constant 0 : i32
    %dma_start3A_18 = tpu.memref_slice %arg21[%dma_start3A_16, %dma_start3A_17] : memref<512x64xf32, #tpu.memory_space<vmem>> -> memref<128x64xf32, #tpu.memory_space<vmem>>
    %dma_start3A_19 = arith.constant 0 : i32
    %dma_start3A_20 = arith.constant 0 : i32
    %dma_start3A_21 = tpu.memref_slice %arg5[%dma_start3A_19, %dma_start3A_20] : memref<100000x64xf32, #tpu.memory_space<hbm>> -> memref<100000x64xf32, #tpu.memory_space<hbm>>
    tpu.enqueue_indirect_dma source(%dma_start3A_21 : memref<100000x64xf32, #tpu.memory_space<hbm>>) target(%dma_start3A_18 : memref<128x64xf32, #tpu.memory_space<vmem>>) offsets(%arg16 : memref<128xi32, #tpu.memory_space<vmem>>) semaphore(%arg24 : memref<!tpu.dma_semaphore, #tpu.memory_space<semaphore_mem>>)
    %dma_start3A_22 = arith.constant 0 : i32
    %dma_start3A_23 = tpu.memref_slice %arg22[%dma_start3A_22] : memref<512xf32, #tpu.memory_space<vmem>> -> memref<128xf32, #tpu.memory_space<vmem>>
    %dma_start3A_24 = arith.constant 0 : i32
    %dma_start3A_25 = tpu.memref_slice %arg6[%dma_start3A_24] : memref<1000000xf32, #tpu.memory_space<hbm>> -> memref<1000000xf32, #tpu.memory_space<hbm>>
    tpu.enqueue_indirect_dma source(%dma_start3A_25 : memref<1000000xf32, #tpu.memory_space<hbm>>) target(%dma_start3A_23 : memref<128xf32, #tpu.memory_space<vmem>>) offsets(%arg12 : memref<128xi32, #tpu.memory_space<vmem>>) semaphore(%arg24 : memref<!tpu.dma_semaphore, #tpu.memory_space<semaphore_mem>>)
    %dma_start3A_26 = arith.constant 0 : i32
    %dma_start3A_27 = tpu.memref_slice %arg23[%dma_start3A_26] : memref<512xf32, #tpu.memory_space<vmem>> -> memref<128xf32, #tpu.memory_space<vmem>>
    %dma_start3A_28 = arith.constant 0 : i32
    %dma_start3A_29 = tpu.memref_slice %arg7[%dma_start3A_28] : memref<100000xf32, #tpu.memory_space<hbm>> -> memref<100000xf32, #tpu.memory_space<hbm>>
    tpu.enqueue_indirect_dma source(%dma_start3A_29 : memref<100000xf32, #tpu.memory_space<hbm>>) target(%dma_start3A_27 : memref<128xf32, #tpu.memory_space<vmem>>) offsets(%arg16 : memref<128xi32, #tpu.memory_space<vmem>>) semaphore(%arg24 : memref<!tpu.dma_semaphore, #tpu.memory_space<semaphore_mem>>)
    %dma_start3A_30 = arith.constant 128 : i32
    %dma_start3A_31 = arith.constant 0 : i32
    %dma_start3A_32 = tpu.memref_slice %arg20[%dma_start3A_30, %dma_start3A_31] : memref<512x64xf32, #tpu.memory_space<vmem>> -> memref<128x64xf32, #tpu.memory_space<vmem>>
    %dma_start3A_33 = arith.constant 0 : i32
    %dma_start3A_34 = arith.constant 0 : i32
    %dma_start3A_35 = tpu.memref_slice %arg4[%dma_start3A_33, %dma_start3A_34] : memref<1000000x64xf32, #tpu.memory_space<hbm>> -> memref<1000000x64xf32, #tpu.memory_space<hbm>>
    tpu.enqueue_indirect_dma source(%dma_start3A_35 : memref<1000000x64xf32, #tpu.memory_space<hbm>>) target(%dma_start3A_32 : memref<128x64xf32, #tpu.memory_space<vmem>>) offsets(%arg13 : memref<128xi32, #tpu.memory_space<vmem>>) semaphore(%arg24 : memref<!tpu.dma_semaphore, #tpu.memory_space<semaphore_mem>>)
    %dma_start3A_36 = arith.constant 128 : i32
    %dma_start3A_37 = arith.constant 0 : i32
    %dma_start3A_38 = tpu.memref_slice %arg21[%dma_start3A_36, %dma_start3A_37] : memref<512x64xf32, #tpu.memory_space<vmem>> -> memref<128x64xf32, #tpu.memory_space<vmem>>
    %dma_start3A_39 = arith.constant 0 : i32
    %dma_start3A_40 = arith.constant 0 : i32
    %dma_start3A_41 = tpu.memref_slice %arg5[%dma_start3A_39, %dma_start3A_40] : memref<100000x64xf32, #tpu.memory_space<hbm>> -> memref<100000x64xf32, #tpu.memory_space<hbm>>
    tpu.enqueue_indirect_dma source(%dma_start3A_41 : memref<100000x64xf32, #tpu.memory_space<hbm>>) target(%dma_start3A_38 : memref<128x64xf32, #tpu.memory_space<vmem>>) offsets(%arg17 : memref<128xi32, #tpu.memory_space<vmem>>) semaphore(%arg24 : memref<!tpu.dma_semaphore, #tpu.memory_space<semaphore_mem>>)
    %dma_start3A_42 = arith.constant 128 : i32
    %dma_start3A_43 = tpu.memref_slice %arg22[%dma_start3A_42] : memref<512xf32, #tpu.memory_space<vmem>> -> memref<128xf32, #tpu.memory_space<vmem>>
    %dma_start3A_44 = arith.constant 0 : i32
    %dma_start3A_45 = tpu.memref_slice %arg6[%dma_start3A_44] : memref<1000000xf32, #tpu.memory_space<hbm>> -> memref<1000000xf32, #tpu.memory_space<hbm>>
    tpu.enqueue_indirect_dma source(%dma_start3A_45 : memref<1000000xf32, #tpu.memory_space<hbm>>) target(%dma_start3A_43 : memref<128xf32, #tpu.memory_space<vmem>>) offsets(%arg13 : memref<128xi32, #tpu.memory_space<vmem>>) semaphore(%arg24 : memref<!tpu.dma_semaphore, #tpu.memory_space<semaphore_mem>>)
    %dma_start3A_46 = arith.constant 128 : i32
    %dma_start3A_47 = tpu.memref_slice %arg23[%dma_start3A_46] : memref<512xf32, #tpu.memory_space<vmem>> -> memref<128xf32, #tpu.memory_space<vmem>>
    %dma_start3A_48 = arith.constant 0 : i32
    %dma_start3A_49 = tpu.memref_slice %arg7[%dma_start3A_48] : memref<100000xf32, #tpu.memory_space<hbm>> -> memref<100000xf32, #tpu.memory_space<hbm>>
    tpu.enqueue_indirect_dma source(%dma_start3A_49 : memref<100000xf32, #tpu.memory_space<hbm>>) target(%dma_start3A_47 : memref<128xf32, #tpu.memory_space<vmem>>) offsets(%arg17 : memref<128xi32, #tpu.memory_space<vmem>>) semaphore(%arg24 : memref<!tpu.dma_semaphore, #tpu.memory_space<semaphore_mem>>)
    %dma_start3A_50 = arith.constant 256 : i32
    %dma_start3A_51 = arith.constant 0 : i32
    %dma_start3A_52 = tpu.memref_slice %arg20[%dma_start3A_50, %dma_start3A_51] : memref<512x64xf32, #tpu.memory_space<vmem>> -> memref<128x64xf32, #tpu.memory_space<vmem>>
    %dma_start3A_53 = arith.constant 0 : i32
    %dma_start3A_54 = arith.constant 0 : i32
    %dma_start3A_55 = tpu.memref_slice %arg4[%dma_start3A_53, %dma_start3A_54] : memref<1000000x64xf32, #tpu.memory_space<hbm>> -> memref<1000000x64xf32, #tpu.memory_space<hbm>>
    tpu.enqueue_indirect_dma source(%dma_start3A_55 : memref<1000000x64xf32, #tpu.memory_space<hbm>>) target(%dma_start3A_52 : memref<128x64xf32, #tpu.memory_space<vmem>>) offsets(%arg14 : memref<128xi32, #tpu.memory_space<vmem>>) semaphore(%arg24 : memref<!tpu.dma_semaphore, #tpu.memory_space<semaphore_mem>>)
    %dma_start3A_56 = arith.constant 256 : i32
    %dma_start3A_57 = arith.constant 0 : i32
    %dma_start3A_58 = tpu.memref_slice %arg21[%dma_start3A_56, %dma_start3A_57] : memref<512x64xf32, #tpu.memory_space<vmem>> -> memref<128x64xf32, #tpu.memory_space<vmem>>
    %dma_start3A_59 = arith.constant 0 : i32
    %dma_start3A_60 = arith.constant 0 : i32
    %dma_start3A_61 = tpu.memref_slice %arg5[%dma_start3A_59, %dma_start3A_60] : memref<100000x64xf32, #tpu.memory_space<hbm>> -> memref<100000x64xf32, #tpu.memory_space<hbm>>
    tpu.enqueue_indirect_dma source(%dma_start3A_61 : memref<100000x64xf32, #tpu.memory_space<hbm>>) target(%dma_start3A_58 : memref<128x64xf32, #tpu.memory_space<vmem>>) offsets(%arg18 : memref<128xi32, #tpu.memory_space<vmem>>) semaphore(%arg24 : memref<!tpu.dma_semaphore, #tpu.memory_space<semaphore_mem>>)
    %dma_start3A_62 = arith.constant 256 : i32
    %dma_start3A_63 = tpu.memref_slice %arg22[%dma_start3A_62] : memref<512xf32, #tpu.memory_space<vmem>> -> memref<128xf32, #tpu.memory_space<vmem>>
    %dma_start3A_64 = arith.constant 0 : i32
    %dma_start3A_65 = tpu.memref_slice %arg6[%dma_start3A_64] : memref<1000000xf32, #tpu.memory_space<hbm>> -> memref<1000000xf32, #tpu.memory_space<hbm>>
    tpu.enqueue_indirect_dma source(%dma_start3A_65 : memref<1000000xf32, #tpu.memory_space<hbm>>) target(%dma_start3A_63 : memref<128xf32, #tpu.memory_space<vmem>>) offsets(%arg14 : memref<128xi32, #tpu.memory_space<vmem>>) semaphore(%arg24 : memref<!tpu.dma_semaphore, #tpu.memory_space<semaphore_mem>>)
    %dma_start3A_66 = arith.constant 256 : i32
    %dma_start3A_67 = tpu.memref_slice %arg23[%dma_start3A_66] : memref<512xf32, #tpu.memory_space<vmem>> -> memref<128xf32, #tpu.memory_space<vmem>>
    %dma_start3A_68 = arith.constant 0 : i32
    %dma_start3A_69 = tpu.memref_slice %arg7[%dma_start3A_68] : memref<100000xf32, #tpu.memory_space<hbm>> -> memref<100000xf32, #tpu.memory_space<hbm>>
    tpu.enqueue_indirect_dma source(%dma_start3A_69 : memref<100000xf32, #tpu.memory_space<hbm>>) target(%dma_start3A_67 : memref<128xf32, #tpu.memory_space<vmem>>) offsets(%arg18 : memref<128xi32, #tpu.memory_space<vmem>>) semaphore(%arg24 : memref<!tpu.dma_semaphore, #tpu.memory_space<semaphore_mem>>)
    %dma_start3A_70 = arith.constant 384 : i32
    %dma_start3A_71 = arith.constant 0 : i32
    %dma_start3A_72 = tpu.memref_slice %arg20[%dma_start3A_70, %dma_start3A_71] : memref<512x64xf32, #tpu.memory_space<vmem>> -> memref<128x64xf32, #tpu.memory_space<vmem>>
    %dma_start3A_73 = arith.constant 0 : i32
    %dma_start3A_74 = arith.constant 0 : i32
    %dma_start3A_75 = tpu.memref_slice %arg4[%dma_start3A_73, %dma_start3A_74] : memref<1000000x64xf32, #tpu.memory_space<hbm>> -> memref<1000000x64xf32, #tpu.memory_space<hbm>>
    tpu.enqueue_indirect_dma source(%dma_start3A_75 : memref<1000000x64xf32, #tpu.memory_space<hbm>>) target(%dma_start3A_72 : memref<128x64xf32, #tpu.memory_space<vmem>>) offsets(%arg15 : memref<128xi32, #tpu.memory_space<vmem>>) semaphore(%arg24 : memref<!tpu.dma_semaphore, #tpu.memory_space<semaphore_mem>>)
    %dma_start3A_76 = arith.constant 384 : i32
    %dma_start3A_77 = arith.constant 0 : i32
    %dma_start3A_78 = tpu.memref_slice %arg21[%dma_start3A_76, %dma_start3A_77] : memref<512x64xf32, #tpu.memory_space<vmem>> -> memref<128x64xf32, #tpu.memory_space<vmem>>
    %dma_start3A_79 = arith.constant 0 : i32
    %dma_start3A_80 = arith.constant 0 : i32
    %dma_start3A_81 = tpu.memref_slice %arg5[%dma_start3A_79, %dma_start3A_80] : memref<100000x64xf32, #tpu.memory_space<hbm>> -> memref<100000x64xf32, #tpu.memory_space<hbm>>
    tpu.enqueue_indirect_dma source(%dma_start3A_81 : memref<100000x64xf32, #tpu.memory_space<hbm>>) target(%dma_start3A_78 : memref<128x64xf32, #tpu.memory_space<vmem>>) offsets(%arg19 : memref<128xi32, #tpu.memory_space<vmem>>) semaphore(%arg24 : memref<!tpu.dma_semaphore, #tpu.memory_space<semaphore_mem>>)
    %dma_start3A_82 = arith.constant 384 : i32
    %dma_start3A_83 = tpu.memref_slice %arg22[%dma_start3A_82] : memref<512xf32, #tpu.memory_space<vmem>> -> memref<128xf32, #tpu.memory_space<vmem>>
    %dma_start3A_84 = arith.constant 0 : i32
    %dma_start3A_85 = tpu.memref_slice %arg6[%dma_start3A_84] : memref<1000000xf32, #tpu.memory_space<hbm>> -> memref<1000000xf32, #tpu.memory_space<hbm>>
    tpu.enqueue_indirect_dma source(%dma_start3A_85 : memref<1000000xf32, #tpu.memory_space<hbm>>) target(%dma_start3A_83 : memref<128xf32, #tpu.memory_space<vmem>>) offsets(%arg15 : memref<128xi32, #tpu.memory_space<vmem>>) semaphore(%arg24 : memref<!tpu.dma_semaphore, #tpu.memory_space<semaphore_mem>>)
    %dma_start3A_86 = arith.constant 384 : i32
    %dma_start3A_87 = tpu.memref_slice %arg23[%dma_start3A_86] : memref<512xf32, #tpu.memory_space<vmem>> -> memref<128xf32, #tpu.memory_space<vmem>>
    %dma_start3A_88 = arith.constant 0 : i32
    %dma_start3A_89 = tpu.memref_slice %arg7[%dma_start3A_88] : memref<100000xf32, #tpu.memory_space<hbm>> -> memref<100000xf32, #tpu.memory_space<hbm>>
    tpu.enqueue_indirect_dma source(%dma_start3A_89 : memref<100000xf32, #tpu.memory_space<hbm>>) target(%dma_start3A_87 : memref<128xf32, #tpu.memory_space<vmem>>) offsets(%arg19 : memref<128xi32, #tpu.memory_space<vmem>>) semaphore(%arg24 : memref<!tpu.dma_semaphore, #tpu.memory_space<semaphore_mem>>)
    %dma_wait3A = arith.constant 0 : i32
    %dma_wait3A_90 = arith.constant 0 : i32
    %dma_wait3A_91 = tpu.memref_slice %arg20[%dma_wait3A, %dma_wait3A_90] : memref<512x64xf32, #tpu.memory_space<vmem>> -> memref<128x64xf32, #tpu.memory_space<vmem>>
    %dma_wait3A_92 = arith.constant 0 : i32
    %dma_wait3A_93 = arith.constant 0 : i32
    %dma_wait3A_94 = tpu.memref_slice %arg4[%dma_wait3A_92, %dma_wait3A_93] : memref<1000000x64xf32, #tpu.memory_space<hbm>> -> memref<1000000x64xf32, #tpu.memory_space<hbm>>
    tpu.wait_indirect_dma semaphore(%arg24 : memref<!tpu.dma_semaphore, #tpu.memory_space<semaphore_mem>>) src(%dma_wait3A_94 : memref<1000000x64xf32, #tpu.memory_space<hbm>>) dst(%dma_wait3A_91 : memref<128x64xf32, #tpu.memory_space<vmem>>)
    %dma_wait3A_95 = arith.constant 0 : i32
    %dma_wait3A_96 = arith.constant 0 : i32
    %dma_wait3A_97 = tpu.memref_slice %arg21[%dma_wait3A_95, %dma_wait3A_96] : memref<512x64xf32, #tpu.memory_space<vmem>> -> memref<128x64xf32, #tpu.memory_space<vmem>>
    %dma_wait3A_98 = arith.constant 0 : i32
    %dma_wait3A_99 = arith.constant 0 : i32
    %dma_wait3A_100 = tpu.memref_slice %arg5[%dma_wait3A_98, %dma_wait3A_99] : memref<100000x64xf32, #tpu.memory_space<hbm>> -> memref<100000x64xf32, #tpu.memory_space<hbm>>
    tpu.wait_indirect_dma semaphore(%arg24 : memref<!tpu.dma_semaphore, #tpu.memory_space<semaphore_mem>>) src(%dma_wait3A_100 : memref<100000x64xf32, #tpu.memory_space<hbm>>) dst(%dma_wait3A_97 : memref<128x64xf32, #tpu.memory_space<vmem>>)
    %dma_wait3A_101 = arith.constant 0 : i32
    %dma_wait3A_102 = tpu.memref_slice %arg22[%dma_wait3A_101] : memref<512xf32, #tpu.memory_space<vmem>> -> memref<128xf32, #tpu.memory_space<vmem>>
    %dma_wait3A_103 = arith.constant 0 : i32
    %dma_wait3A_104 = tpu.memref_slice %arg6[%dma_wait3A_103] : memref<1000000xf32, #tpu.memory_space<hbm>> -> memref<1000000xf32, #tpu.memory_space<hbm>>
    tpu.wait_indirect_dma semaphore(%arg24 : memref<!tpu.dma_semaphore, #tpu.memory_space<semaphore_mem>>) src(%dma_wait3A_104 : memref<1000000xf32, #tpu.memory_space<hbm>>) dst(%dma_wait3A_102 : memref<128xf32, #tpu.memory_space<vmem>>)
    %dma_wait3A_105 = arith.constant 0 : i32
    %dma_wait3A_106 = tpu.memref_slice %arg23[%dma_wait3A_105] : memref<512xf32, #tpu.memory_space<vmem>> -> memref<128xf32, #tpu.memory_space<vmem>>
    %dma_wait3A_107 = arith.constant 0 : i32
    %dma_wait3A_108 = tpu.memref_slice %arg7[%dma_wait3A_107] : memref<100000xf32, #tpu.memory_space<hbm>> -> memref<100000xf32, #tpu.memory_space<hbm>>
    tpu.wait_indirect_dma semaphore(%arg24 : memref<!tpu.dma_semaphore, #tpu.memory_space<semaphore_mem>>) src(%dma_wait3A_108 : memref<100000xf32, #tpu.memory_space<hbm>>) dst(%dma_wait3A_106 : memref<128xf32, #tpu.memory_space<vmem>>)
    %dma_wait3A_109 = arith.constant 128 : i32
    %dma_wait3A_110 = arith.constant 0 : i32
    %dma_wait3A_111 = tpu.memref_slice %arg20[%dma_wait3A_109, %dma_wait3A_110] : memref<512x64xf32, #tpu.memory_space<vmem>> -> memref<128x64xf32, #tpu.memory_space<vmem>>
    %dma_wait3A_112 = arith.constant 0 : i32
    %dma_wait3A_113 = arith.constant 0 : i32
    %dma_wait3A_114 = tpu.memref_slice %arg4[%dma_wait3A_112, %dma_wait3A_113] : memref<1000000x64xf32, #tpu.memory_space<hbm>> -> memref<1000000x64xf32, #tpu.memory_space<hbm>>
    tpu.wait_indirect_dma semaphore(%arg24 : memref<!tpu.dma_semaphore, #tpu.memory_space<semaphore_mem>>) src(%dma_wait3A_114 : memref<1000000x64xf32, #tpu.memory_space<hbm>>) dst(%dma_wait3A_111 : memref<128x64xf32, #tpu.memory_space<vmem>>)
    %dma_wait3A_115 = arith.constant 128 : i32
    %dma_wait3A_116 = arith.constant 0 : i32
    %dma_wait3A_117 = tpu.memref_slice %arg21[%dma_wait3A_115, %dma_wait3A_116] : memref<512x64xf32, #tpu.memory_space<vmem>> -> memref<128x64xf32, #tpu.memory_space<vmem>>
    %dma_wait3A_118 = arith.constant 0 : i32
    %dma_wait3A_119 = arith.constant 0 : i32
    %dma_wait3A_120 = tpu.memref_slice %arg5[%dma_wait3A_118, %dma_wait3A_119] : memref<100000x64xf32, #tpu.memory_space<hbm>> -> memref<100000x64xf32, #tpu.memory_space<hbm>>
    tpu.wait_indirect_dma semaphore(%arg24 : memref<!tpu.dma_semaphore, #tpu.memory_space<semaphore_mem>>) src(%dma_wait3A_120 : memref<100000x64xf32, #tpu.memory_space<hbm>>) dst(%dma_wait3A_117 : memref<128x64xf32, #tpu.memory_space<vmem>>)
    %dma_wait3A_121 = arith.constant 128 : i32
    %dma_wait3A_122 = tpu.memref_slice %arg22[%dma_wait3A_121] : memref<512xf32, #tpu.memory_space<vmem>> -> memref<128xf32, #tpu.memory_space<vmem>>
    %dma_wait3A_123 = arith.constant 0 : i32
    %dma_wait3A_124 = tpu.memref_slice %arg6[%dma_wait3A_123] : memref<1000000xf32, #tpu.memory_space<hbm>> -> memref<1000000xf32, #tpu.memory_space<hbm>>
    tpu.wait_indirect_dma semaphore(%arg24 : memref<!tpu.dma_semaphore, #tpu.memory_space<semaphore_mem>>) src(%dma_wait3A_124 : memref<1000000xf32, #tpu.memory_space<hbm>>) dst(%dma_wait3A_122 : memref<128xf32, #tpu.memory_space<vmem>>)
    %dma_wait3A_125 = arith.constant 128 : i32
    %dma_wait3A_126 = tpu.memref_slice %arg23[%dma_wait3A_125] : memref<512xf32, #tpu.memory_space<vmem>> -> memref<128xf32, #tpu.memory_space<vmem>>
    %dma_wait3A_127 = arith.constant 0 : i32
    %dma_wait3A_128 = tpu.memref_slice %arg7[%dma_wait3A_127] : memref<100000xf32, #tpu.memory_space<hbm>> -> memref<100000xf32, #tpu.memory_space<hbm>>
    tpu.wait_indirect_dma semaphore(%arg24 : memref<!tpu.dma_semaphore, #tpu.memory_space<semaphore_mem>>) src(%dma_wait3A_128 : memref<100000xf32, #tpu.memory_space<hbm>>) dst(%dma_wait3A_126 : memref<128xf32, #tpu.memory_space<vmem>>)
    %dma_wait3A_129 = arith.constant 256 : i32
    %dma_wait3A_130 = arith.constant 0 : i32
    %dma_wait3A_131 = tpu.memref_slice %arg20[%dma_wait3A_129, %dma_wait3A_130] : memref<512x64xf32, #tpu.memory_space<vmem>> -> memref<128x64xf32, #tpu.memory_space<vmem>>
    %dma_wait3A_132 = arith.constant 0 : i32
    %dma_wait3A_133 = arith.constant 0 : i32
    %dma_wait3A_134 = tpu.memref_slice %arg4[%dma_wait3A_132, %dma_wait3A_133] : memref<1000000x64xf32, #tpu.memory_space<hbm>> -> memref<1000000x64xf32, #tpu.memory_space<hbm>>
    tpu.wait_indirect_dma semaphore(%arg24 : memref<!tpu.dma_semaphore, #tpu.memory_space<semaphore_mem>>) src(%dma_wait3A_134 : memref<1000000x64xf32, #tpu.memory_space<hbm>>) dst(%dma_wait3A_131 : memref<128x64xf32, #tpu.memory_space<vmem>>)
    %dma_wait3A_135 = arith.constant 256 : i32
    %dma_wait3A_136 = arith.constant 0 : i32
    %dma_wait3A_137 = tpu.memref_slice %arg21[%dma_wait3A_135, %dma_wait3A_136] : memref<512x64xf32, #tpu.memory_space<vmem>> -> memref<128x64xf32, #tpu.memory_space<vmem>>
    %dma_wait3A_138 = arith.constant 0 : i32
    %dma_wait3A_139 = arith.constant 0 : i32
    %dma_wait3A_140 = tpu.memref_slice %arg5[%dma_wait3A_138, %dma_wait3A_139] : memref<100000x64xf32, #tpu.memory_space<hbm>> -> memref<100000x64xf32, #tpu.memory_space<hbm>>
    tpu.wait_indirect_dma semaphore(%arg24 : memref<!tpu.dma_semaphore, #tpu.memory_space<semaphore_mem>>) src(%dma_wait3A_140 : memref<100000x64xf32, #tpu.memory_space<hbm>>) dst(%dma_wait3A_137 : memref<128x64xf32, #tpu.memory_space<vmem>>)
    %dma_wait3A_141 = arith.constant 256 : i32
    %dma_wait3A_142 = tpu.memref_slice %arg22[%dma_wait3A_141] : memref<512xf32, #tpu.memory_space<vmem>> -> memref<128xf32, #tpu.memory_space<vmem>>
    %dma_wait3A_143 = arith.constant 0 : i32
    %dma_wait3A_144 = tpu.memref_slice %arg6[%dma_wait3A_143] : memref<1000000xf32, #tpu.memory_space<hbm>> -> memref<1000000xf32, #tpu.memory_space<hbm>>
    tpu.wait_indirect_dma semaphore(%arg24 : memref<!tpu.dma_semaphore, #tpu.memory_space<semaphore_mem>>) src(%dma_wait3A_144 : memref<1000000xf32, #tpu.memory_space<hbm>>) dst(%dma_wait3A_142 : memref<128xf32, #tpu.memory_space<vmem>>)
    %dma_wait3A_145 = arith.constant 256 : i32
    %dma_wait3A_146 = tpu.memref_slice %arg23[%dma_wait3A_145] : memref<512xf32, #tpu.memory_space<vmem>> -> memref<128xf32, #tpu.memory_space<vmem>>
    %dma_wait3A_147 = arith.constant 0 : i32
    %dma_wait3A_148 = tpu.memref_slice %arg7[%dma_wait3A_147] : memref<100000xf32, #tpu.memory_space<hbm>> -> memref<100000xf32, #tpu.memory_space<hbm>>
    tpu.wait_indirect_dma semaphore(%arg24 : memref<!tpu.dma_semaphore, #tpu.memory_space<semaphore_mem>>) src(%dma_wait3A_148 : memref<100000xf32, #tpu.memory_space<hbm>>) dst(%dma_wait3A_146 : memref<128xf32, #tpu.memory_space<vmem>>)
    %dma_wait3A_149 = arith.constant 384 : i32
    %dma_wait3A_150 = arith.constant 0 : i32
    %dma_wait3A_151 = tpu.memref_slice %arg20[%dma_wait3A_149, %dma_wait3A_150] : memref<512x64xf32, #tpu.memory_space<vmem>> -> memref<128x64xf32, #tpu.memory_space<vmem>>
    %dma_wait3A_152 = arith.constant 0 : i32
    %dma_wait3A_153 = arith.constant 0 : i32
    %dma_wait3A_154 = tpu.memref_slice %arg4[%dma_wait3A_152, %dma_wait3A_153] : memref<1000000x64xf32, #tpu.memory_space<hbm>> -> memref<1000000x64xf32, #tpu.memory_space<hbm>>
    tpu.wait_indirect_dma semaphore(%arg24 : memref<!tpu.dma_semaphore, #tpu.memory_space<semaphore_mem>>) src(%dma_wait3A_154 : memref<1000000x64xf32, #tpu.memory_space<hbm>>) dst(%dma_wait3A_151 : memref<128x64xf32, #tpu.memory_space<vmem>>)
    %dma_wait3A_155 = arith.constant 384 : i32
    %dma_wait3A_156 = arith.constant 0 : i32
    %dma_wait3A_157 = tpu.memref_slice %arg21[%dma_wait3A_155, %dma_wait3A_156] : memref<512x64xf32, #tpu.memory_space<vmem>> -> memref<128x64xf32, #tpu.memory_space<vmem>>
    %dma_wait3A_158 = arith.constant 0 : i32
    %dma_wait3A_159 = arith.constant 0 : i32
    %dma_wait3A_160 = tpu.memref_slice %arg5[%dma_wait3A_158, %dma_wait3A_159] : memref<100000x64xf32, #tpu.memory_space<hbm>> -> memref<100000x64xf32, #tpu.memory_space<hbm>>
    tpu.wait_indirect_dma semaphore(%arg24 : memref<!tpu.dma_semaphore, #tpu.memory_space<semaphore_mem>>) src(%dma_wait3A_160 : memref<100000x64xf32, #tpu.memory_space<hbm>>) dst(%dma_wait3A_157 : memref<128x64xf32, #tpu.memory_space<vmem>>)
    %dma_wait3A_161 = arith.constant 384 : i32
    %dma_wait3A_162 = tpu.memref_slice %arg22[%dma_wait3A_161] : memref<512xf32, #tpu.memory_space<vmem>> -> memref<128xf32, #tpu.memory_space<vmem>>
    %dma_wait3A_163 = arith.constant 0 : i32
    %dma_wait3A_164 = tpu.memref_slice %arg6[%dma_wait3A_163] : memref<1000000xf32, #tpu.memory_space<hbm>> -> memref<1000000xf32, #tpu.memory_space<hbm>>
    tpu.wait_indirect_dma semaphore(%arg24 : memref<!tpu.dma_semaphore, #tpu.memory_space<semaphore_mem>>) src(%dma_wait3A_164 : memref<1000000xf32, #tpu.memory_space<hbm>>) dst(%dma_wait3A_162 : memref<128xf32, #tpu.memory_space<vmem>>)
    %dma_wait3A_165 = arith.constant 384 : i32
    %dma_wait3A_166 = tpu.memref_slice %arg23[%dma_wait3A_165] : memref<512xf32, #tpu.memory_space<vmem>> -> memref<128xf32, #tpu.memory_space<vmem>>
    %dma_wait3A_167 = arith.constant 0 : i32
    %dma_wait3A_168 = tpu.memref_slice %arg7[%dma_wait3A_167] : memref<100000xf32, #tpu.memory_space<hbm>> -> memref<100000xf32, #tpu.memory_space<hbm>>
    tpu.wait_indirect_dma semaphore(%arg24 : memref<!tpu.dma_semaphore, #tpu.memory_space<semaphore_mem>>) src(%dma_wait3A_168 : memref<100000xf32, #tpu.memory_space<hbm>>) dst(%dma_wait3A_166 : memref<128xf32, #tpu.memory_space<vmem>>)
    "tpu.region"() ({
      %run_scoped3A = tpu.sem_alloc : memref<!tpu.dma_semaphore, #tpu.memory_space<semaphore_mem>>
      %dma_start3A_169 = arith.constant 0 : i32
      %dma_start3A_170 = tpu.memref_slice %arg8[%mul3A_2, %dma_start3A_169] : memref<16384x64xf32, #tpu.memory_space<hbm>> -> memref<512x64xf32, #tpu.memory_space<hbm>>
      %dma_start3A_171 = arith.constant 0 : i32
      %dma_start3A_172 = tpu.memref_slice %arg8[%mul3A_2, %dma_start3A_171] : memref<16384x64xf32, #tpu.memory_space<hbm>> -> memref<512x64xf32, #tpu.memory_space<hbm>>
      tpu.enqueue_dma source(%arg20 : memref<512x64xf32, #tpu.memory_space<vmem>>) target(%dma_start3A_172 : memref<512x64xf32, #tpu.memory_space<hbm>>) target_semaphore(%run_scoped3A : memref<!tpu.dma_semaphore, #tpu.memory_space<semaphore_mem>>)
      %dma_wait3A_173 = arith.constant 0 : i32
      %dma_wait3A_174 = tpu.memref_slice %arg8[%mul3A_2, %dma_wait3A_173] : memref<16384x64xf32, #tpu.memory_space<hbm>> -> memref<512x64xf32, #tpu.memory_space<hbm>>
      %dma_wait3A_175 = arith.constant 0 : i32
      %dma_wait3A_176 = tpu.memref_slice %arg8[%mul3A_2, %dma_wait3A_175] : memref<16384x64xf32, #tpu.memory_space<hbm>> -> memref<512x64xf32, #tpu.memory_space<hbm>>
      tpu.wait_dma2 semaphore(%run_scoped3A : memref<!tpu.dma_semaphore, #tpu.memory_space<semaphore_mem>>) src(%arg20 : memref<512x64xf32, #tpu.memory_space<vmem>>) dst(%dma_wait3A_176 : memref<512x64xf32, #tpu.memory_space<hbm>>)
      tpu.yield
    }) : () -> ()
    "tpu.region"() ({
      %run_scoped3A = tpu.sem_alloc : memref<!tpu.dma_semaphore, #tpu.memory_space<semaphore_mem>>
      %dma_start3A_169 = arith.constant 0 : i32
      %dma_start3A_170 = tpu.memref_slice %arg9[%mul3A_2, %dma_start3A_169] : memref<16384x64xf32, #tpu.memory_space<hbm>> -> memref<512x64xf32, #tpu.memory_space<hbm>>
      %dma_start3A_171 = arith.constant 0 : i32
      %dma_start3A_172 = tpu.memref_slice %arg9[%mul3A_2, %dma_start3A_171] : memref<16384x64xf32, #tpu.memory_space<hbm>> -> memref<512x64xf32, #tpu.memory_space<hbm>>
      tpu.enqueue_dma source(%arg21 : memref<512x64xf32, #tpu.memory_space<vmem>>) target(%dma_start3A_172 : memref<512x64xf32, #tpu.memory_space<hbm>>) target_semaphore(%run_scoped3A : memref<!tpu.dma_semaphore, #tpu.memory_space<semaphore_mem>>)
      %dma_wait3A_173 = arith.constant 0 : i32
      %dma_wait3A_174 = tpu.memref_slice %arg9[%mul3A_2, %dma_wait3A_173] : memref<16384x64xf32, #tpu.memory_space<hbm>> -> memref<512x64xf32, #tpu.memory_space<hbm>>
      %dma_wait3A_175 = arith.constant 0 : i32
      %dma_wait3A_176 = tpu.memref_slice %arg9[%mul3A_2, %dma_wait3A_175] : memref<16384x64xf32, #tpu.memory_space<hbm>> -> memref<512x64xf32, #tpu.memory_space<hbm>>
      tpu.wait_dma2 semaphore(%run_scoped3A : memref<!tpu.dma_semaphore, #tpu.memory_space<semaphore_mem>>) src(%arg21 : memref<512x64xf32, #tpu.memory_space<vmem>>) dst(%dma_wait3A_176 : memref<512x64xf32, #tpu.memory_space<hbm>>)
      tpu.yield
    }) : () -> ()
    "tpu.region"() ({
      %run_scoped3A = tpu.sem_alloc : memref<!tpu.dma_semaphore, #tpu.memory_space<semaphore_mem>>
      %dma_start3A_169 = tpu.memref_slice %arg10[%mul3A_2] : memref<16384xf32, #tpu.memory_space<hbm>> -> memref<512xf32, #tpu.memory_space<hbm>>
      %dma_start3A_170 = tpu.memref_slice %arg10[%mul3A_2] : memref<16384xf32, #tpu.memory_space<hbm>> -> memref<512xf32, #tpu.memory_space<hbm>>
      tpu.enqueue_dma source(%arg22 : memref<512xf32, #tpu.memory_space<vmem>>) target(%dma_start3A_170 : memref<512xf32, #tpu.memory_space<hbm>>) target_semaphore(%run_scoped3A : memref<!tpu.dma_semaphore, #tpu.memory_space<semaphore_mem>>)
      %dma_wait3A_171 = tpu.memref_slice %arg10[%mul3A_2] : memref<16384xf32, #tpu.memory_space<hbm>> -> memref<512xf32, #tpu.memory_space<hbm>>
      %dma_wait3A_172 = tpu.memref_slice %arg10[%mul3A_2] : memref<16384xf32, #tpu.memory_space<hbm>> -> memref<512xf32, #tpu.memory_space<hbm>>
      tpu.wait_dma2 semaphore(%run_scoped3A : memref<!tpu.dma_semaphore, #tpu.memory_space<semaphore_mem>>) src(%arg22 : memref<512xf32, #tpu.memory_space<vmem>>) dst(%dma_wait3A_172 : memref<512xf32, #tpu.memory_space<hbm>>)
      tpu.yield
    }) : () -> ()
    "tpu.region"() ({
      %run_scoped3A = tpu.sem_alloc : memref<!tpu.dma_semaphore, #tpu.memory_space<semaphore_mem>>
      %dma_start3A_169 = tpu.memref_slice %arg11[%mul3A_2] : memref<16384xf32, #tpu.memory_space<hbm>> -> memref<512xf32, #tpu.memory_space<hbm>>
      %dma_start3A_170 = tpu.memref_slice %arg11[%mul3A_2] : memref<16384xf32, #tpu.memory_space<hbm>> -> memref<512xf32, #tpu.memory_space<hbm>>
      tpu.enqueue_dma source(%arg23 : memref<512xf32, #tpu.memory_space<vmem>>) target(%dma_start3A_170 : memref<512xf32, #tpu.memory_space<hbm>>) target_semaphore(%run_scoped3A : memref<!tpu.dma_semaphore, #tpu.memory_space<semaphore_mem>>)
      %dma_wait3A_171 = tpu.memref_slice %arg11[%mul3A_2] : memref<16384xf32, #tpu.memory_space<hbm>> -> memref<512xf32, #tpu.memory_space<hbm>>
      %dma_wait3A_172 = tpu.memref_slice %arg11[%mul3A_2] : memref<16384xf32, #tpu.memory_space<hbm>> -> memref<512xf32, #tpu.memory_space<hbm>>
      tpu.wait_dma2 semaphore(%run_scoped3A : memref<!tpu.dma_semaphore, #tpu.memory_space<semaphore_mem>>) src(%arg23 : memref<512xf32, #tpu.memory_space<vmem>>) dst(%dma_wait3A_172 : memref<512xf32, #tpu.memory_space<hbm>>)
      tpu.yield
    }) : () -> ()
    return
  }
}

module attributes {stable_mosaic.version = 14 : i64} {
  func.func @_mlp_body(%arg0: i32, %arg1: memref<2048x64xf32, #tpu.memory_space<vmem>>, %arg2: memref<2048x64xf32, #tpu.memory_space<vmem>>, %arg3: memref<2048x1xf32, #tpu.memory_space<vmem>>, %arg4: memref<2048x1xf32, #tpu.memory_space<vmem>>, %arg5: memref<64x128xf32, #tpu.memory_space<vmem>>, %arg6: memref<1x128xf32, #tpu.memory_space<vmem>>, %arg7: memref<128x256xf32, #tpu.memory_space<vmem>>, %arg8: memref<1x256xf32, #tpu.memory_space<vmem>>, %arg9: memref<256x1xf32, #tpu.memory_space<vmem>>, %arg10: memref<1x1xf32, #tpu.memory_space<vmem>>, %arg11: memref<2048x1xf32, #tpu.memory_space<vmem>>) attributes {dimension_semantics = [#tpu.dimension_semantics<arbitrary>], iteration_bounds = array<i64: 8>, scalar_prefetch = 0 : i64, scratch_operands = 0 : i64, tpu.core_type = #tpu.core_type<tc>, window_params = [{transform_indices = @transform_0, window_bounds = array<i64: 2048, 64>}, {transform_indices = @transform_1, window_bounds = array<i64: 2048, 64>}, {transform_indices = @transform_2, window_bounds = array<i64: 2048, 1>}, {transform_indices = @transform_3, window_bounds = array<i64: 2048, 1>}, {pipeline_mode = #tpu.pipeline_mode<synchronous>, transform_indices = @transform_4, window_bounds = array<i64: 64, 128>}, {pipeline_mode = #tpu.pipeline_mode<synchronous>, transform_indices = @transform_5, window_bounds = array<i64: 1, 128>}, {pipeline_mode = #tpu.pipeline_mode<synchronous>, transform_indices = @transform_6, window_bounds = array<i64: 128, 256>}, {pipeline_mode = #tpu.pipeline_mode<synchronous>, transform_indices = @transform_7, window_bounds = array<i64: 1, 256>}, {pipeline_mode = #tpu.pipeline_mode<synchronous>, transform_indices = @transform_8, window_bounds = array<i64: 256, 1>}, {pipeline_mode = #tpu.pipeline_mode<synchronous>, transform_indices = @transform_9, window_bounds = array<i64: 1, 1>}, {transform_indices = @transform_10, window_bounds = array<i64: 2048, 1>}]} {
    %get3A = arith.constant 0 : index
    %get3A_0 = arith.constant 0 : index
    %get3A_1 = vector.load %arg1[%get3A, %get3A_0] : memref<2048x64xf32, #tpu.memory_space<vmem>>, vector<2048x64xf32>
    %get3A_2 = arith.constant 0 : index
    %get3A_3 = arith.constant 0 : index
    %get3A_4 = vector.load %arg2[%get3A_2, %get3A_3] : memref<2048x64xf32, #tpu.memory_space<vmem>>, vector<2048x64xf32>
    %add3A = arith.addf %get3A_1, %get3A_4 : vector<2048x64xf32>
    %mul3A = arith.constant 5.000000e-01 : f32
    %mul3A_5 = vector.broadcast %mul3A : f32 to vector<2048x64xf32>
    %mul3A_6 = arith.mulf %add3A, %mul3A_5 : vector<2048x64xf32>
    %get3A_7 = arith.constant 0 : index
    %get3A_8 = arith.constant 0 : index
    %get3A_9 = vector.load %arg5[%get3A_7, %get3A_8] : memref<64x128xf32, #tpu.memory_space<vmem>>, vector<64x128xf32>
    %dot_general3A = arith.constant dense<0.000000e+00> : vector<2048x128xf32>
    %dot_general3A_10 = tpu.matmul %mul3A_6, %get3A_9, %dot_general3A {dimension_numbers = #tpu.dot_dimension_numbers<[1], [0], [0], [1], [0, 0, 1, 1], [], []>, precision = #tpu.contract_precision<fp32>, transpose_lhs_hint = false} : vector<2048x64xf32>, vector<64x128xf32>, vector<2048x128xf32> -> vector<2048x128xf32>
    %get3A_11 = arith.constant 0 : index
    %get3A_12 = arith.constant 0 : index
    %get3A_13 = vector.load %arg6[%get3A_11, %get3A_12] : memref<1x128xf32, #tpu.memory_space<vmem>>, vector<1x128xf32>
    %add3A_14 = vector.broadcast %get3A_13 : vector<1x128xf32> to vector<2048x128xf32>
    %add3A_15 = arith.addf %dot_general3A_10, %add3A_14 : vector<2048x128xf32>
    %max3A = arith.constant 0.000000e+00 : f32
    %max3A_16 = vector.broadcast %max3A : f32 to vector<2048x128xf32>
    %max3A_17 = arith.maximumf %add3A_15, %max3A_16 : vector<2048x128xf32>
    %get3A_18 = arith.constant 0 : index
    %get3A_19 = arith.constant 0 : index
    %get3A_20 = vector.load %arg7[%get3A_18, %get3A_19] : memref<128x256xf32, #tpu.memory_space<vmem>>, vector<128x256xf32>
    %dot_general3A_21 = arith.constant dense<0.000000e+00> : vector<2048x256xf32>
    %dot_general3A_22 = tpu.matmul %max3A_17, %get3A_20, %dot_general3A_21 {dimension_numbers = #tpu.dot_dimension_numbers<[1], [0], [0], [1], [0, 0, 1, 1], [], []>, precision = #tpu.contract_precision<fp32>, transpose_lhs_hint = false} : vector<2048x128xf32>, vector<128x256xf32>, vector<2048x256xf32> -> vector<2048x256xf32>
    %get3A_23 = arith.constant 0 : index
    %get3A_24 = arith.constant 0 : index
    %get3A_25 = vector.load %arg8[%get3A_23, %get3A_24] : memref<1x256xf32, #tpu.memory_space<vmem>>, vector<1x256xf32>
    %add3A_26 = vector.broadcast %get3A_25 : vector<1x256xf32> to vector<2048x256xf32>
    %add3A_27 = arith.addf %dot_general3A_22, %add3A_26 : vector<2048x256xf32>
    %max3A_28 = arith.constant 0.000000e+00 : f32
    %max3A_29 = vector.broadcast %max3A_28 : f32 to vector<2048x256xf32>
    %max3A_30 = arith.maximumf %add3A_27, %max3A_29 : vector<2048x256xf32>
    %get3A_31 = arith.constant 0 : index
    %get3A_32 = arith.constant 0 : index
    %get3A_33 = vector.load %arg9[%get3A_31, %get3A_32] : memref<256x1xf32, #tpu.memory_space<vmem>>, vector<256x1xf32>
    %dot_general3A_34 = arith.constant dense<0.000000e+00> : vector<2048x1xf32>
    %dot_general3A_35 = tpu.matmul %max3A_30, %get3A_33, %dot_general3A_34 {dimension_numbers = #tpu.dot_dimension_numbers<[1], [0], [0], [1], [0, 0, 1, 1], [], []>, precision = #tpu.contract_precision<fp32>, transpose_lhs_hint = false} : vector<2048x256xf32>, vector<256x1xf32>, vector<2048x1xf32> -> vector<2048x1xf32>
    %get3A_36 = arith.constant 0 : index
    %get3A_37 = arith.constant 0 : index
    %get3A_38 = vector.load %arg10[%get3A_36, %get3A_37] : memref<1x1xf32, #tpu.memory_space<vmem>>, vector<1x1xf32>
    %add3A_39 = vector.broadcast %get3A_38 : vector<1x1xf32> to vector<2048x1xf32>
    %add3A_40 = arith.addf %dot_general3A_35, %add3A_39 : vector<2048x1xf32>
    %get3A_41 = arith.constant 0 : index
    %get3A_42 = arith.constant 0 : index
    %get3A_43 = vector.load %arg3[%get3A_41, %get3A_42] : memref<2048x1xf32, #tpu.memory_space<vmem>>, vector<2048x1xf32>
    %add3A_44 = arith.addf %add3A_40, %get3A_43 : vector<2048x1xf32>
    %get3A_45 = arith.constant 0 : index
    %get3A_46 = arith.constant 0 : index
    %get3A_47 = vector.load %arg4[%get3A_45, %get3A_46] : memref<2048x1xf32, #tpu.memory_space<vmem>>, vector<2048x1xf32>
    %add3A_48 = arith.addf %add3A_44, %get3A_47 : vector<2048x1xf32>
    %swap3A = arith.constant 0 : index
    %swap3A_49 = arith.constant 0 : index
    %swap3A_50 = vector.load %arg11[%swap3A, %swap3A_49] : memref<2048x1xf32, #tpu.memory_space<vmem>>, vector<2048x1xf32>
    tpu.vector_store %arg11[%swap3A, %swap3A_49], %add3A_48 {strides = array<i32>} : memref<2048x1xf32, #tpu.memory_space<vmem>>, vector<2048x1xf32>,
    return
  }
  func.func @transform_0(%arg0: i32) -> (i32, i32) {
    %c0_i32 = arith.constant 0 : i32
    %c0_i32_0 = arith.constant 0 : i32
    return %arg0, %c0_i32 : i32, i32
  }
  func.func @transform_1(%arg0: i32) -> (i32, i32) {
    %c0_i32 = arith.constant 0 : i32
    %c0_i32_0 = arith.constant 0 : i32
    return %arg0, %c0_i32 : i32, i32
  }
  func.func @transform_2(%arg0: i32) -> (i32, i32) {
    %c0_i32 = arith.constant 0 : i32
    %c0_i32_0 = arith.constant 0 : i32
    return %arg0, %c0_i32 : i32, i32
  }
  func.func @transform_3(%arg0: i32) -> (i32, i32) {
    %c0_i32 = arith.constant 0 : i32
    %c0_i32_0 = arith.constant 0 : i32
    return %arg0, %c0_i32 : i32, i32
  }
  func.func @transform_4(%arg0: i32) -> (i32, i32) {
    %c0_i32 = arith.constant 0 : i32
    %c0_i32_0 = arith.constant 0 : i32
    %c0_i32_1 = arith.constant 0 : i32
    return %c0_i32, %c0_i32_0 : i32, i32
  }
  func.func @transform_5(%arg0: i32) -> (i32, i32) {
    %c0_i32 = arith.constant 0 : i32
    %c0_i32_0 = arith.constant 0 : i32
    %c0_i32_1 = arith.constant 0 : i32
    return %c0_i32, %c0_i32_0 : i32, i32
  }
  func.func @transform_6(%arg0: i32) -> (i32, i32) {
    %c0_i32 = arith.constant 0 : i32
    %c0_i32_0 = arith.constant 0 : i32
    %c0_i32_1 = arith.constant 0 : i32
    return %c0_i32, %c0_i32_0 : i32, i32
  }
  func.func @transform_7(%arg0: i32) -> (i32, i32) {
    %c0_i32 = arith.constant 0 : i32
    %c0_i32_0 = arith.constant 0 : i32
    %c0_i32_1 = arith.constant 0 : i32
    return %c0_i32, %c0_i32_0 : i32, i32
  }
  func.func @transform_8(%arg0: i32) -> (i32, i32) {
    %c0_i32 = arith.constant 0 : i32
    %c0_i32_0 = arith.constant 0 : i32
    %c0_i32_1 = arith.constant 0 : i32
    return %c0_i32, %c0_i32_0 : i32, i32
  }
  func.func @transform_9(%arg0: i32) -> (i32, i32) {
    %c0_i32 = arith.constant 0 : i32
    %c0_i32_0 = arith.constant 0 : i32
    %c0_i32_1 = arith.constant 0 : i32
    return %c0_i32, %c0_i32_0 : i32, i32
  }
  func.func @transform_10(%arg0: i32) -> (i32, i32) {
    %c0_i32 = arith.constant 0 : i32
    %c0_i32_0 = arith.constant 0 : i32
    return %arg0, %c0_i32 : i32, i32
  }
}

</mosaic_0001>

<sc_bundles>
// kernel: kernel.4.cloned.1.call-start
scs
__scs_entry_jumppad:
0x0: {  	(pc) =	sbr.rel $0x88, $3  }
0x1: {  	(tag) =	ssettag $0x0;
	lr =	simm.s32 $0x1  }
0x2: {  	[smem:$0x3F96] =	sst lr;
	_ =	strace $0xD0000000  }
0x3: {  	_ = 	snop  }
0x4: {  	_ = 	snop  }
0x5: {  	_ = 	snop  }
0x6: {  	_ = 	snop  }
0x7: {  	_ = 	snop  }
__scs_overlays_trampoline_lowered:
0x8: {  	[smem:$0x3FA5] =	sst s0  }
0x9: {  	[smem:$0x3FA6] =	sst s1  }
0xa: {  	[smem:$0x3FA7] =	sst s2  }
0xb: {  	[smem:$0x3FA8] =	sst s3  }
0xc: {  	[smem:$0x3FA9] =	sst s4  }
0xd: {  	[smem:$0x3FAA] =	sst s5  }
0xe: {  	[smem:$0x3FAB] =	sst s6  }
0xf: {  	[smem:$0x3FAC] =	sst s7  }
0x10: {  	[smem:$0x3FAD] =	sst s8  }
0x11: {  	[smem:$0x3FAE] =	sst s9;
	s0 =	simm.s32 @!p0 $0x0  }
0x12: {  	s1 =	sld [smem:$0x3F94];
	s0 =	simm.s32 @p0 $0x1  }
0x13: {  	[smem:$0x3FAF] =	sst s0;
	s0 =	simm.s32 @!p1 $0x0  }
0x14: {  	s2 =	sld [smem:$0x3F93];
	s0 =	simm.s32 @p1 $0x1  }
0x15: {  	[smem:$0x3FB0] =	sst s0;
	s0 =	simm.s32 @!p2 $0x0  }
0x16: {  	s3 =	sld [smem:$0x3FDB];
	s0 =	simm.s32 @p2 $0x1  }
0x17: {  	s4 =	simm.s32 $0x1BF5;
	[smem:$0x3FB2] =	sst s0  }
0x18: {  	s0 =	sld [smem:$0x3F95];
	_ =	swait.ge [sflag:s4], $0x0  }
0x19: {  	s7 =	sld [smem:$0x3F96]  }
0x1a: {  	s8 =	sadd.s32 $0xFFFFE003, lr  }
0x1b: {  	s9 =	sadd.s32 $0xFFFFFEF7, lr;
	s5 =	simm.s32 $0xFFFFFFFF;
	p2 =	slt.u32 s8, $0xFFFFF086  }
0x1c: {  	p1 =	slt.u32 s9, $0xF7A;
	s5 =	simm.s32 @!p2 $0x0  }
0x1d: {  	s5 =	simm.s32 @p1 $0x1;
	p0 =	seq.s32 s7, s2  }
0x1e: {  	s7 =	smul.u32 @!p0 $0xF7A, s2;
	p2 =	seq.s32 @!p0 s5, $0x0  }
0x1f: {  	s9 =	smul.u32 $0xF7A, s1;
	s8 =	simm.s32 @!p0 $0x1BF5;
	p2 =	por !p2, p0  }
0x20: {  	[sflag:s8] =	ssyncset.s32 @!p0 $0xFFFFF086;
	s6 =	sadd.s32 @!p0 s3, s7;
	s7 =	simm.s32 @!p0 $0x108  }
0x21: {  	s3 =	sadd.s32 s3, s9;
	s6 =	sadd.s32 @!p0 $0x88, s6;
	s7 =	simm.s32 @p2 $0x1082  }
0x22: {  	[simem:s7], [sflag:s8] =	dma.local @!p0 [hbm:s6], $0xF7A  }
0x23: {  	s9 =	sor.u32 $0xD0000000, s2;
	s6 =	simm.s32 $0x108;
	_ =	swait.ge @!p0 [sflag:s8], $0x0  }
0x24: {  	s3 =	sadd.s32 $0x88, s3;
	s6 =	simm.s32 @!p1 $0x1082;
	[sflag:s4] =	ssyncset.s32 $0xFFFFF086  }
0x25: {  	[simem:s6], [sflag:s4] =	dma.local [hbm:s3], $0xF7A  }
0x26: {  	[smem:$0x3F96] =	sst s1;
	(tag) =	ssettag s2;
	_ =	strace s9  }
0x27: {  	s1 =	sld [smem:$0x3FA6]  }
0x28: {  	s2 =	sld [smem:$0x3FA7]  }
0x29: {  	s4 =	sld [smem:$0x3FA9]  }
0x2a: {  	p0 =	seq.s32 s5, $0x0;
	s5 =	sld [smem:$0x3FAA]  }
0x2b: {  	s6 =	sld [smem:$0x3FAB]  }
0x2c: {  	s7 =	sld [smem:$0x3FAC]  }
0x2d: {  	s3 =	simm.s32 $0x108;
	s8 =	sld [smem:$0x3FAD]  }
0x2e: {  	s3 =	simm.s32 @!p0 $0x1082;
	s9 =	sld [smem:$0x3FAE]  }
0x2f: {  	lr =	sadd.s32 s0, s3;
	s0 =	sld [smem:$0x3FA5]  }
0x30: {  	s3 =	sld [smem:$0x3FA8]  }
0x31: {  	[smem:$0x3FB1] =	sst s10  }
0x32: {  	s10 =	sld [smem:$0x3FAF];
	_ =	sdelay $0x3  }
0x33: {  	p0 =	seq.s32 s10, $0x1;
	s10 =	sld [smem:$0x3FB1];
	_ =	sdelay $0x3  }
0x34: {  	[smem:$0x3FB1] =	sst s10  }
0x35: {  	s10 =	sld [smem:$0x3FB0];
	_ =	sdelay $0x3  }
0x36: {  	p1 =	seq.s32 s10, $0x1;
	s10 =	sld [smem:$0x3FB1];
	_ =	sdelay $0x3  }
0x37: {  	[smem:$0x3FB1] =	sst s10  }
0x38: {  	s10 =	sld [smem:$0x3FB2]  }
0x39: {  	_ = 	snop;
	(pc) =	sbr.ind lr, $3  }
0x3a: {  	_ = 	snop  }
0x3b: {  	_ = 	snop  }
0x3c: {  	p2 =	seq.s32 s10, $0x1;
	s10 =	sld [smem:$0x3FB1]  }
0x3d: {  	_ =	shalt  }
0x3e: {  	_ =	shalt  }
0x3f: {  	_ =	shalt  }
0x40: {  	_ =	shalt  }
0x41: {  	_ =	shalt  }
0x42: {  	_ =	shalt  }
0x43: {  	_ =	shalt  }
0x44: {  	_ =	shalt  }
0x45: {  	_ =	shalt  }
0x46: {  	_ =	shalt  }
0x47: {  	_ =	shalt  }
0x48: {  	_ =	shalt  }
0x49: {  	_ =	shalt  }
0x4a: {  	_ =	shalt  }
0x4b: {  	_ =	shalt  }
0x4c: {  	_ =	shalt  }
0x4d: {  	_ =	shalt  }
0x4e: {  	_ =	shalt  }
0x4f: {  	_ =	shalt  }
0x50: {  	_ =	shalt  }
0x51: {  	_ =	shalt  }
0x52: {  	_ =	shalt  }
0x53: {  	_ =	shalt  }
0x54: {  	_ =	shalt  }
0x55: {  	_ =	shalt  }
0x56: {  	_ =	shalt  }
0x57: {  	_ =	shalt  }
0x58: {  	_ =	shalt  }
0x59: {  	_ =	shalt  }
0x5a: {  	_ =	shalt  }
0x5b: {  	_ =	shalt  }
0x5c: {  	_ =	shalt  }
0x5d: {  	_ =	shalt  }
0x5e: {  	_ =	shalt  }
0x5f: {  	_ =	shalt  }
0x60: {  	_ =	shalt  }
0x61: {  	_ =	shalt  }
0x62: {  	_ =	shalt  }
0x63: {  	_ =	shalt  }
0x64: {  	_ =	shalt  }
0x65: {  	_ =	shalt  }
0x66: {  	_ =	shalt  }
0x67: {  	_ =	shalt  }
0x68: {  	_ =	shalt  }
0x69: {  	_ =	shalt  }
0x6a: {  	_ =	shalt  }
0x6b: {  	_ =	shalt  }
0x6c: {  	_ =	shalt  }
0x6d: {  	_ =	shalt  }
0x6e: {  	_ =	shalt  }
0x6f: {  	_ =	shalt  }
0x70: {  	_ =	shalt  }
0x71: {  	_ =	shalt  }
0x72: {  	_ =	shalt  }
0x73: {  	_ =	shalt  }
0x74: {  	_ =	shalt  }
0x75: {  	_ =	shalt  }
0x76: {  	_ =	shalt  }
0x77: {  	_ =	shalt  }
0x78: {  	_ =	shalt  }
0x79: {  	_ =	shalt  }
0x7a: {  	_ =	shalt  }
0x7b: {  	_ =	shalt  }
0x7c: {  	_ =	shalt  }
0x7d: {  	_ =	shalt  }
0x7e: {  	_ =	shalt  }
0x7f: {  	_ =	shalt  }
0x80: {  	_ =	shalt  }
0x81: {  	_ =	shalt  }
0x82: {  	_ =	shalt  }
0x83: {  	_ =	shalt  }
0x84: {  	_ =	shalt  }
0x85: {  	_ =	shalt  }
0x86: {  	_ =	shalt  }
0x87: {  	_ =	shalt  }
.Lfunc_end0:
.L_simem_size_0:
called_computation_lowered:
.L_overlay_start_0:
0x88: {  	s2 =	sld [smem:$0x3FD9]  }
0x89: {  	s3 =	sld [smem:$0x3FFE];
	_ =	sdelay $0x1  }
0x8a: {  	s1 =	srdreg.scid  }
0x8b: {  	s0 =	sand.u32 $0x1, s1  }
0x8c: {  	s17 =	sshll.u32 s0, $0xA;
	s2 =	sadd.s32 s3, s2  }
0x8d: {  	s2 =	sadd.s32 s2, s17  }
0x8e: {  	[smem:$0x3FBD] =	sst s2  }
0x8f: {  	_ = 	snop  }
0x90: {  	s2 =	sld [smem:$0x3FD0];
	(tm) =	ssettm $0x1  }
0x91: {  	s18 =	sld [smem:$0x3FFB];
	_ =	sdelay $0x3  }
0x92: {  	_ =	strace s18  }
0x93: {  	s3 =	sld [smem:$0x3FFC];
	_ =	sdelay $0x3  }
0x94: {  	_ =	strace s3  }
0x95: {  	s3 =	sld [smem:$0x3FFD];
	_ =	sdelay $0x3  }
0x96: {  	_ =	strace s3  }
0x97: {  	_ =	strace $0x8FFFFFFF  }
0x98: {  	s19 =	sld [smem:$0x3FDB];
	_ =	sdelay $0x1  }
0x99: {  	s4 =	simm.s32 $_scs_section_size  }
0x9a: {  	s5 =	simm.s32 $_size__tile_overlayer_lowered;
	s6 =	simm.s32 $_tile_overlayer_lowered  }
0x9b: {  	s22 =	simm.s32 $0x1BFF;
	s21 =	sshll.u32 s6, $0x1;
	s3 =	sadd.s32 s4, s19  }
0x9c: {  	s7 =	simm.s32 $0x0;
	s20 =	sshll.u32 s5, $0x1;
	s5 =	sadd.s32 s21, s3  }
0x9d: {  	[timem:s7], [sflag:s22] =	dma.local [hbm:s5], s20  }
0x9e: {  	_ =	swait.ge [sflag:s22], s20  }
0x9f: {  	s4 =	ssub.s32 $0x0, s20;
	[sflag:s22] =	ssyncset.done $0x0  }
0xa0: {  	[sflag:s22] =	ssyncadd.s32 s4;
	_ =	sdelay $0x1  }
0xa1: {  	s23 =	simm.s32 $0x1B8B  }
0xa2: {  	_ =	swait.ge [sflag:s23], $0x1  }
0xa3: {  	[sflag:s23] =	ssyncset.done $0x0  }
0xa4: {  	s25 =	simm.s32 $0x1B8E;
	s24 =	sld [smem:$0x3FFE];
	[sflag:s23] =	ssyncadd.s32 $0xFFFFFFFF  }
0xa5: {  	s26 =	simm.s32 $execute0_lowered;
	[smem:$0x3FD2] =	sst s25  }
0xa6: {  	s5 =	sshll.u32 s26, $0x1;
	_ =	strace $0x80000046;
	[dreg:$0x1] =	wrdreg $0xFFFFFFFF  }
0xa7: {  	s28 =	simm.s32 $_size_execute0_lowered;
	s3 =	sadd.s32 s3, s5;
	[dreg:$0x0] =	wrdreg $0x0  }
0xa8: {  	s5 =	sshll.u32 s28, $0x1;
	[dreg:$0x2] =	wrdreg s3  }
0xa9: {  	[dreg:$0x3] =	wrdreg s5  }
0xaa: {  	[dreg:$0x4] =	wrdreg $0xC0  }
0xab: {  	_ =	task [dreg:s7], $0x5FFFF  }
0xac: {  	[dreg:$0x1] =	wrdreg $0xFFFFFFFF  }
0xad: {  	[dreg:$0x0] =	wrdreg $0x60  }
0xae: {  	[dreg:$0x2] =	wrdreg s24  }
0xaf: {  	[dreg:$0x3] =	wrdreg s2  }
0xb0: {  	[dreg:$0x4] =	wrdreg $0x9  }
0xb1: {  	_ =	task.clear_ibuf [dreg:s7], $0x5FFFF;
	_ =	strace $0x90000046  }
0xb2: {  	s29 =	simm.s32 $0x9;
	_ =	strace $0x80000048  }
0xb3: {  	_ =	swait.ge [sflag:s29], $0x1  }
0xb4: {  	[sflag:s29] =	ssyncadd.s32 $0xFFFFFFFF  }
0xb5: {  	_ =	strace $0x90000048  }
0xb6: {  	_ =	sfence  }
0xb7: {  	s30 =	sld [smem:$0x0];
	_ =	sdelay $0x2  }
0xb8: {  	s31 =	sshll.u32 s1, $0xD;
	s1 =	sshrl.u32 s1, $0x2  }
0xb9: {  	s3 =	sand.u32 $0x4000, s31;
	s1 =	sadd.s32 s1, s30  }
0xba: {  	s0 =	sor.u32 s3, s0;
	s1 =	sshll.u32 s1, $0x11  }
0xbb: {  	s0 =	sor.u32 s1, s0  }
0xbc: {  	s0 =	sadd.s32 $0x8F2B, s0  }
0xbd: {  	[sflag:s0] =	ssyncadd.remote.s32 $0x1  }
0xbe: {  	_ =	sfence.sel $0xFFFF  }
0xbf: {  	[dreg:$0x0] =	wrdreg $0xFFFFFFFF;
	(pc) =	sbr.abs _section_cstart, $3  }
0xc0: {  	[dreg:$0x1] =	wrdreg $0xFFFFFFFF  }
0xc1: {  	_ =	task.clear_ibuf [dreg:s7], $0x2FFFF;
	_ =	strace $0x9FFFFFFF  }
0xc2: {  	(tm) =	ssettm $0x7FFFFFFF  }
0xc3: {  	_ =	shalt  }
tec
execute0_lowered:
.L_overlay_start_1:
0x0: {  	(tag) =	ssettag $0x1  }
0x1: {  	s0 =	srdreg.scid;
	s1 =	rddreg [dreg:$0x0]  }
0x2: {  	s2 =	stileid.u32;
	s3 =	rddreg [dreg:$0x1]  }
0x3: {  	s26 =	simm.s32 $0x2400;
	p0 =	por $0x0, $0x0;
	s28 =	simm.s32 $0x6400  }
0x4: {  	s29 =	simm.s32 $0xE400;
	s30 =	simm.s32 $0x10580;
	s31 =	simm.s32 $0x10780  }
0x5: {  	s0 =	sand.u32 $0x1, s0;
	s4 =	sshll.u32 s2, $0xA;
	s2 =	simm.s32 $0x0  }
0x6: {  	s13 =	sadd.s32 $0x1400, s1;
	s8 =	sadd.s32 $0xF44000, s1;
	s9 =	sadd.s32 $0x188600, s1  }
0x7: {  	s12 =	sadd.s32 $0x20600, s1;
	s5 =	sshll.u32 s0, $0x9;
	[smem:$0x7FF] =	sst s2  }
0x8: {  	s0 =	ssub.s32 $0x2, s0;
	s4 =	sor.u32 s5, s4;
	_ =	strace $0x80000047  }
0x9: {  	s23 =	sshrl.u32 s0, $0x1;
	[dreg:$0xf] =	wrdreg s26;
	s26 =	simm.s32 $0x10700  }
0xa: {  	s6 =	sshrl.u32 s4, $0x3;
	s4 =	sshll.u32 s4, $0x3;
	s0 =	ssub.s32 s0, s23  }
0xb: {  	s23 =	simm.s32 $0x4400;
	s7 =	sadd.s32 s13, s6;
	s14 =	sadd.s32 s3, s6  }
0xc: {  	s10 =	sor.u32 $0x10, s6;
	s11 =	sor.u32 $0x20, s6;
	s19 =	sor.u32 $0x30, s6  }
0xd: {  	s4 =	sadd.s32 s4, s1;
	s20 =	sadd.s32 s6, s1;
	[dreg:$0x3] =	wrdreg s7  }
0xe: {  	s0 =	smax.u32 s0, $0x1;
	s6 =	simm.s32 $0x8400;
	[dreg:$0x4] =	wrdreg s14  }
0xf: {  	s15 =	sadd.s32 s13, s10;
	s16 =	sadd.s32 s3, s10;
	s10 =	sadd.s32 $0x1C00, s1  }
0x10: {  	s17 =	sadd.s32 s13, s11;
	s18 =	sadd.s32 s3, s11;
	[dreg:$0x5] =	wrdreg s15  }
0x11: {  	s5 =	sadd.s32 s13, s19;
	s3 =	sadd.s32 s3, s19;
	[dreg:$0x6] =	wrdreg s16  }
0x12: {  	s21 =	sadd.s32 $0x44800, s4;
	s22 =	sadd.s32 $0x24800, s4;
	[dreg:$0x7] =	wrdreg s17  }
0x13: {  	s24 =	sadd.s32 $0x23800, s20;
	s25 =	sadd.s32 $0x24000, s20;
	[dreg:$0x8] =	wrdreg s18  }
0x14: {  	s19 =	simm.s32 $0x200;
	s13 =	simm.s32 $0x80;
	[dreg:$0x9] =	wrdreg s5  }
0x15: {  	s14 =	simm.s32 $0x180;
	s7 =	simm.s32 $0x400;
	[dreg:$0xa] =	wrdreg s3  }
0x16: {  	s4 =	simm.s32 $0x10600;
	s20 =	simm.s32 $0xA400;
	[dreg:$0xb] =	wrdreg s21  }
0x17: {  	p1 =	sne.s32 s0, $0x1;
	s1 =	sadd.s32 $0xFFFFFFFF, s0;
	[dreg:$0xc] =	wrdreg s22  }
.Ltmp0:
0x18: {  	s11 =	simm.s32 $0x1;
	[dreg:$0xd] =	wrdreg s24;
	(pc) =	sbr.rel @!p1 .LBB2_3-.Ltmp0, $4  }
0x19: {  	[dreg:$0xe] =	wrdreg s25;
	s3 =	simm.s32 $0x2;
	s18 =	simm.s32 $0x280  }
0x1a: {  	s16 =	simm.s32 $0x100;
	s17 =	simm.s32 $0x300;
	s15 =	simm.s32 $0x380  }
0x1b: {  	s5 =	simm.s32 $0x10400;
	s21 =	simm.s32 $0x10480;
	s22 =	simm.s32 $0x10680  }
0x1c: {  	s24 =	simm.s32 $0xC400;
	s25 =	simm.s32 $0x10500;
	s0 =	rddreg [dreg:$0x3]  }
0x1d: {  	[tilespmem:s2], [sflag:$0x2] =	stream.linear.gather [hbm4b:s0+s2], $0x80, $0x38;
	[tilespmem:$0x10800] =	vst v63  }
0x1e: {  	_ =	swait.ge [sflag:s3], $0x80  }
0x1f: {  	[sflag:s3] =	ssyncset.done $0x0  }
0x20: {  	s0 =	rddreg [dreg:$0x4];
	[sflag:s3] =	ssyncadd.s32 $0xFFFFFF80  }
0x21: {  	[tilespmem:s19], [sflag:$0x2] =	stream.linear.gather [hbm4b:s0+s2], $0x80, $0x38;
	[tilespmem:$0x10800] =	vst v63  }
0x22: {  	_ =	swait.ge [sflag:s3], $0x80  }
0x23: {  	[sflag:s3] =	ssyncset.done $0x0  }
0x24: {  	s0 =	rddreg [dreg:$0x5];
	[sflag:s3] =	ssyncadd.s32 $0xFFFFFF80  }
0x25: {  	[tilespmem:s13], [sflag:$0x2] =	stream.linear.gather [hbm4b:s0+s2], $0x80, $0x38;
	[tilespmem:$0x10800] =	vst v63  }
0x26: {  	_ =	swait.ge [sflag:s3], $0x80  }
0x27: {  	[sflag:s3] =	ssyncset.done $0x0  }
0x28: {  	s0 =	rddreg [dreg:$0x6];
	[sflag:s3] =	ssyncadd.s32 $0xFFFFFF80  }
0x29: {  	[tilespmem:s18], [sflag:$0x2] =	stream.linear.gather [hbm4b:s0+s2], $0x80, $0x38;
	[tilespmem:$0x10800] =	vst v63  }
0x2a: {  	_ =	swait.ge [sflag:s3], $0x80  }
0x2b: {  	[sflag:s3] =	ssyncset.done $0x0  }
0x2c: {  	s0 =	rddreg [dreg:$0x7];
	[sflag:s3] =	ssyncadd.s32 $0xFFFFFF80  }
0x2d: {  	[tilespmem:s16], [sflag:$0x2] =	stream.linear.gather [hbm4b:s0+s2], $0x80, $0x38;
	[tilespmem:$0x10800] =	vst v63  }
0x2e: {  	_ =	swait.ge [sflag:s3], $0x80  }
0x2f: {  	[sflag:s3] =	ssyncset.done $0x0  }
0x30: {  	s0 =	rddreg [dreg:$0x8];
	[sflag:s3] =	ssyncadd.s32 $0xFFFFFF80  }
0x31: {  	[tilespmem:s17], [sflag:$0x2] =	stream.linear.gather [hbm4b:s0+s2], $0x80, $0x38;
	[tilespmem:$0x10800] =	vst v63  }
0x32: {  	_ =	swait.ge [sflag:s3], $0x80  }
0x33: {  	[sflag:s3] =	ssyncset.done $0x0  }
0x34: {  	s0 =	rddreg [dreg:$0x9];
	[sflag:s3] =	ssyncadd.s32 $0xFFFFFF80  }
0x35: {  	[tilespmem:s14], [sflag:$0x2] =	stream.linear.gather [hbm4b:s0+s2], $0x80, $0x38;
	[tilespmem:$0x10800] =	vst v63  }
0x36: {  	_ =	swait.ge [sflag:s3], $0x80  }
0x37: {  	[sflag:s3] =	ssyncset.done $0x0  }
0x38: {  	s0 =	rddreg [dreg:$0xa];
	[sflag:s3] =	ssyncadd.s32 $0xFFFFFF80  }
0x39: {  	[tilespmem:s15], [sflag:$0x2] =	stream.linear.gather [hbm4b:s0+s2], $0x80, $0x38;
	[tilespmem:$0x10800] =	vst v63  }
0x3a: {  	_ =	swait.ge [sflag:s3], $0x80  }
0x3b: {  	[sflag:s3] =	ssyncset.done $0x0  }
0x3c: {  	[sflag:s3] =	ssyncadd.s32 $0xFFFFFF80  }
0x3d: {  	[tilespmem:s7], [sflag:$0x1] =	stream.indirect.gather [hbm4b:s8+s13], $0x40, s2, s13, $0xb8;
	[tilespmem:$0x10800] =	vst v63  }
0x3e: {  	_ = 	snop  }
0x3f: {  	[tilespmem:s6], [sflag:$0x1] =	stream.indirect.gather [hbm4b:s9+s13], $0x40, s19, s13, $0xb8;
	[tilespmem:$0x10800] =	vst v63  }
0x40: {  	_ = 	snop  }
0x41: {  	[tilespmem:s5], [sflag:$0x1] =	stream.indirect.gather [hbm4b:s10+s13], $0x1, s2, s13, $0xb8;
	[tilespmem:$0x10800] =	vst v63  }
0x42: {  	_ = 	snop  }
0x43: {  	[tilespmem:s4], [sflag:$0x1] =	stream.indirect.gather [hbm4b:s12+s13], $0x1, s19, s13, $0xb8;
	[tilespmem:$0x10800] =	vst v63  }
0x44: {  	s0 =	rddreg [dreg:$0xf]  }
0x45: {  	[tilespmem:s0], [sflag:$0x1] =	stream.indirect.gather [hbm4b:s8+s13], $0x40, s13, s13, $0xb8;
	[tilespmem:$0x10800] =	vst v63  }
0x46: {  	_ = 	snop  }
0x47: {  	[tilespmem:s20], [sflag:$0x1] =	stream.indirect.gather [hbm4b:s9+s13], $0x40, s18, s13, $0xb8;
	[tilespmem:$0x10800] =	vst v63  }
0x48: {  	_ = 	snop  }
0x49: {  	[tilespmem:s21], [sflag:$0x1] =	stream.indirect.gather [hbm4b:s10+s13], $0x1, s13, s13, $0xb8;
	[tilespmem:$0x10800] =	vst v63  }
0x4a: {  	_ = 	snop  }
0x4b: {  	[tilespmem:s22], [sflag:$0x1] =	stream.indirect.gather [hbm4b:s12+s13], $0x1, s18, s13, $0xb8;
	[tilespmem:$0x10800] =	vst v63  }
0x4c: {  	_ = 	snop  }
0x4d: {  	[tilespmem:s23], [sflag:$0x1] =	stream.indirect.gather [hbm4b:s8+s13], $0x40, s16, s13, $0xb8;
	[tilespmem:$0x10800] =	vst v63  }
0x4e: {  	_ = 	snop  }
0x4f: {  	[tilespmem:s24], [sflag:$0x1] =	stream.indirect.gather [hbm4b:s9+s13], $0x40, s17, s13, $0xb8;
	[tilespmem:$0x10800] =	vst v63  }
0x50: {  	_ = 	snop  }
0x51: {  	[tilespmem:s25], [sflag:$0x1] =	stream.indirect.gather [hbm4b:s10+s13], $0x1, s16, s13, $0xb8;
	[tilespmem:$0x10800] =	vst v63  }
0x52: {  	_ = 	snop  }
0x53: {  	[tilespmem:s26], [sflag:$0x1] =	stream.indirect.gather [hbm4b:s12+s13], $0x1, s17, s13, $0xb8;
	[tilespmem:$0x10800] =	vst v63  }
0x54: {  	_ = 	snop  }
0x55: {  	[tilespmem:s28], [sflag:$0x1] =	stream.indirect.gather [hbm4b:s8+s13], $0x40, s14, s13, $0xb8;
	[tilespmem:$0x10800] =	vst v63  }
0x56: {  	_ = 	snop  }
0x57: {  	[tilespmem:s29], [sflag:$0x1] =	stream.indirect.gather [hbm4b:s9+s13], $0x40, s15, s13, $0xb8;
	[tilespmem:$0x10800] =	vst v63  }
0x58: {  	_ = 	snop  }
0x59: {  	[tilespmem:s30], [sflag:$0x1] =	stream.indirect.gather [hbm4b:s10+s13], $0x1, s14, s13, $0xb8;
	[tilespmem:$0x10800] =	vst v63  }
0x5a: {  	_ = 	snop  }
0x5b: {  	[tilespmem:s31], [sflag:$0x1] =	stream.indirect.gather [hbm4b:s12+s13], $0x1, s15, s13, $0xb8;
	[tilespmem:$0x10800] =	vst v63  }
0x5c: {  	_ =	swait.ge [sflag:s11], $0x2000  }
0x5d: {  	[sflag:s11] =	ssyncset.done $0x0  }
0x5e: {  	[sflag:s11] =	ssyncadd.s32 $0xFFFFE000  }
0x5f: {  	_ =	swait.ge [sflag:s11], $0x2000  }
0x60: {  	[sflag:s11] =	ssyncset.done $0x0  }
0x61: {  	[sflag:s11] =	ssyncadd.s32 $0xFFFFE000  }
0x62: {  	_ =	swait.ge [sflag:s11], $0x80  }
0x63: {  	[sflag:s11] =	ssyncset.done $0x0  }
0x64: {  	[sflag:s11] =	ssyncadd.s32 $0xFFFFFF80  }
0x65: {  	_ =	swait.ge [sflag:s11], $0x80  }
0x66: {  	[sflag:s11] =	ssyncset.done $0x0  }
0x67: {  	[sflag:s11] =	ssyncadd.s32 $0xFFFFFF80  }
0x68: {  	_ =	swait.ge [sflag:s11], $0x2000  }
0x69: {  	[sflag:s11] =	ssyncset.done $0x0  }
0x6a: {  	[sflag:s11] =	ssyncadd.s32 $0xFFFFE000  }
0x6b: {  	_ =	swait.ge [sflag:s11], $0x2000  }
0x6c: {  	[sflag:s11] =	ssyncset.done $0x0  }
0x6d: {  	[sflag:s11] =	ssyncadd.s32 $0xFFFFE000  }
0x6e: {  	_ =	swait.ge [sflag:s11], $0x80  }
0x6f: {  	[sflag:s11] =	ssyncset.done $0x0  }
0x70: {  	[sflag:s11] =	ssyncadd.s32 $0xFFFFFF80  }
0x71: {  	_ =	swait.ge [sflag:s11], $0x80  }
0x72: {  	[sflag:s11] =	ssyncset.done $0x0  }
0x73: {  	[sflag:s11] =	ssyncadd.s32 $0xFFFFFF80  }
0x74: {  	_ =	swait.ge [sflag:s11], $0x2000  }
0x75: {  	[sflag:s11] =	ssyncset.done $0x0  }
0x76: {  	[sflag:s11] =	ssyncadd.s32 $0xFFFFE000  }
0x77: {  	_ =	swait.ge [sflag:s11], $0x2000  }
0x78: {  	[sflag:s11] =	ssyncset.done $0x0  }
0x79: {  	[sflag:s11] =	ssyncadd.s32 $0xFFFFE000  }
0x7a: {  	_ =	swait.ge [sflag:s11], $0x80  }
0x7b: {  	[sflag:s11] =	ssyncset.done $0x0  }
0x7c: {  	[sflag:s11] =	ssyncadd.s32 $0xFFFFFF80  }
0x7d: {  	_ =	swait.ge [sflag:s11], $0x80  }
0x7e: {  	[sflag:s11] =	ssyncset.done $0x0  }
0x7f: {  	[sflag:s11] =	ssyncadd.s32 $0xFFFFFF80  }
0x80: {  	_ =	swait.ge [sflag:s11], $0x2000  }
0x81: {  	[sflag:s11] =	ssyncset.done $0x0  }
0x82: {  	[sflag:s11] =	ssyncadd.s32 $0xFFFFE000  }
0x83: {  	_ =	swait.ge [sflag:s11], $0x2000  }
0x84: {  	[sflag:s11] =	ssyncset.done $0x0  }
0x85: {  	[sflag:s11] =	ssyncadd.s32 $0xFFFFE000  }
0x86: {  	_ =	swait.ge [sflag:s11], $0x80  }
0x87: {  	[sflag:s11] =	ssyncset.done $0x0  }
0x88: {  	[sflag:s11] =	ssyncadd.s32 $0xFFFFFF80  }
0x89: {  	_ =	swait.ge [sflag:s11], $0x80  }
0x8a: {  	[sflag:s11] =	ssyncset.done $0x0  }
0x8b: {  	s0 =	rddreg [dreg:$0xb];
	[sflag:s11] =	ssyncadd.s32 $0xFFFFFF80  }
0x8c: {  	[hbm4b:s0+s2] =	stream.linear.scatter [tilespmem:s7], [sflag:$0x2], $0x8000, $0x38;
	[tilespmem:$0x10800] =	vst v63  }
0x8d: {  	_ =	swait.ge [sflag:s3], $0x8000  }
0x8e: {  	[sflag:s3] =	ssyncset.done $0x0  }
0x8f: {  	s0 =	rddreg [dreg:$0xc];
	[sflag:s3] =	ssyncadd.s32 $0xFFFF8000  }
0x90: {  	[hbm4b:s0+s2] =	stream.linear.scatter [tilespmem:s6], [sflag:$0x2], $0x8000, $0x38;
	[tilespmem:$0x10800] =	vst v63  }
0x91: {  	_ =	swait.ge [sflag:s3], $0x8000  }
0x92: {  	[sflag:s3] =	ssyncset.done $0x0  }
0x93: {  	s0 =	rddreg [dreg:$0xd];
	[sflag:s3] =	ssyncadd.s32 $0xFFFF8000  }
0x94: {  	[hbm4b:s0+s2] =	stream.linear.scatter [tilespmem:s5], [sflag:$0x2], $0x200, $0x38;
	[tilespmem:$0x10800] =	vst v63  }
0x95: {  	p1 =	sne.s32 s1, $0x1;
	_ =	swait.ge [sflag:s3], $0x200  }
.Ltmp1:
0x96: {  	[sflag:s3] =	ssyncset.done $0x0;
	(pc) =	sbr.rel @!p1 .LBB2_3-.Ltmp1, $4  }
0x97: {  	s0 =	rddreg [dreg:$0xe];
	[sflag:s3] =	ssyncadd.s32 $0xFFFFFE00  }
0x98: {  	[hbm4b:s0+s2] =	stream.linear.scatter [tilespmem:s4], [sflag:$0x2], $0x200, $0x38;
	[tilespmem:$0x10800] =	vst v63  }
0x99: {  	s1 =	sadd.s32 $0xFFFFFFFF, s1;
	_ =	swait.ge [sflag:s3], $0x200  }
0x9a: {  	p0 =	por $0x1, $0x1;
	s0 =	rddreg [dreg:$0x3];
	[sflag:s3] =	ssyncset.done $0x0  }
.LBB2_2:
0x9b: {  	[sflag:s3] =	ssyncadd.s32 $0xFFFFFE00  }
0x9c: {  	[tilespmem:s2], [sflag:$0x2] =	stream.linear.gather [hbm4b:s0+s2], $0x80, $0x38;
	[tilespmem:$0x10800] =	vst v63  }
0x9d: {  	_ =	swait.ge [sflag:s3], $0x80  }
0x9e: {  	[sflag:s3] =	ssyncset.done $0x0  }
0x9f: {  	s0 =	rddreg [dreg:$0x4];
	[sflag:s3] =	ssyncadd.s32 $0xFFFFFF80  }
0xa0: {  	[tilespmem:s19], [sflag:$0x2] =	stream.linear.gather [hbm4b:s0+s2], $0x80, $0x38;
	[tilespmem:$0x10800] =	vst v63  }
0xa1: {  	_ =	swait.ge [sflag:s3], $0x80  }
0xa2: {  	[sflag:s3] =	ssyncset.done $0x0  }
0xa3: {  	s0 =	rddreg [dreg:$0x5];
	[sflag:s3] =	ssyncadd.s32 $0xFFFFFF80  }
0xa4: {  	[tilespmem:s13], [sflag:$0x2] =	stream.linear.gather [hbm4b:s0+s2], $0x80, $0x38;
	[tilespmem:$0x10800] =	vst v63  }
0xa5: {  	_ =	swait.ge [sflag:s3], $0x80  }
0xa6: {  	[sflag:s3] =	ssyncset.done $0x0  }
0xa7: {  	s0 =	rddreg [dreg:$0x6];
	[sflag:s3] =	ssyncadd.s32 $0xFFFFFF80  }
0xa8: {  	[tilespmem:s18], [sflag:$0x2] =	stream.linear.gather [hbm4b:s0+s2], $0x80, $0x38;
	[tilespmem:$0x10800] =	vst v63  }
0xa9: {  	_ =	swait.ge [sflag:s3], $0x80  }
0xaa: {  	[sflag:s3] =	ssyncset.done $0x0  }
0xab: {  	s0 =	rddreg [dreg:$0x7];
	[sflag:s3] =	ssyncadd.s32 $0xFFFFFF80  }
0xac: {  	[tilespmem:s16], [sflag:$0x2] =	stream.linear.gather [hbm4b:s0+s2], $0x80, $0x38;
	[tilespmem:$0x10800] =	vst v63  }
0xad: {  	_ =	swait.ge [sflag:s3], $0x80  }
0xae: {  	[sflag:s3] =	ssyncset.done $0x0  }
0xaf: {  	s0 =	rddreg [dreg:$0x8];
	[sflag:s3] =	ssyncadd.s32 $0xFFFFFF80  }
0xb0: {  	[tilespmem:s17], [sflag:$0x2] =	stream.linear.gather [hbm4b:s0+s2], $0x80, $0x38;
	[tilespmem:$0x10800] =	vst v63  }
0xb1: {  	_ =	swait.ge [sflag:s3], $0x80  }
0xb2: {  	[sflag:s3] =	ssyncset.done $0x0  }
0xb3: {  	s0 =	rddreg [dreg:$0x9];
	[sflag:s3] =	ssyncadd.s32 $0xFFFFFF80  }
0xb4: {  	[tilespmem:s14], [sflag:$0x2] =	stream.linear.gather [hbm4b:s0+s2], $0x80, $0x38;
	[tilespmem:$0x10800] =	vst v63  }
0xb5: {  	_ =	swait.ge [sflag:s3], $0x80  }
0xb6: {  	[sflag:s3] =	ssyncset.done $0x0  }
0xb7: {  	s0 =	rddreg [dreg:$0xa];
	[sflag:s3] =	ssyncadd.s32 $0xFFFFFF80  }
0xb8: {  	[tilespmem:s15], [sflag:$0x2] =	stream.linear.gather [hbm4b:s0+s2], $0x80, $0x38;
	[tilespmem:$0x10800] =	vst v63  }
0xb9: {  	_ =	swait.ge [sflag:s3], $0x80  }
0xba: {  	[sflag:s3] =	ssyncset.done $0x0  }
0xbb: {  	[sflag:s3] =	ssyncadd.s32 $0xFFFFFF80  }
0xbc: {  	[tilespmem:s7], [sflag:$0x1] =	stream.indirect.gather [hbm4b:s8+s13], $0x40, s2, s13, $0xb8;
	[tilespmem:$0x10800] =	vst v63  }
0xbd: {  	_ = 	snop  }
0xbe: {  	[tilespmem:s6], [sflag:$0x1] =	stream.indirect.gather [hbm4b:s9+s13], $0x40, s19, s13, $0xb8;
	[tilespmem:$0x10800] =	vst v63  }
0xbf: {  	_ = 	snop  }
0xc0: {  	[tilespmem:s5], [sflag:$0x1] =	stream.indirect.gather [hbm4b:s10+s13], $0x1, s2, s13, $0xb8;
	[tilespmem:$0x10800] =	vst v63  }
0xc1: {  	_ = 	snop  }
0xc2: {  	[tilespmem:s4], [sflag:$0x1] =	stream.indirect.gather [hbm4b:s12+s13], $0x1, s19, s13, $0xb8;
	[tilespmem:$0x10800] =	vst v63  }
0xc3: {  	s0 =	rddreg [dreg:$0xf]  }
0xc4: {  	[tilespmem:s0], [sflag:$0x1] =	stream.indirect.gather [hbm4b:s8+s13], $0x40, s13, s13, $0xb8;
	[tilespmem:$0x10800] =	vst v63  }
0xc5: {  	_ = 	snop  }
0xc6: {  	[tilespmem:s20], [sflag:$0x1] =	stream.indirect.gather [hbm4b:s9+s13], $0x40, s18, s13, $0xb8;
	[tilespmem:$0x10800] =	vst v63  }
0xc7: {  	_ = 	snop  }
0xc8: {  	[tilespmem:s21], [sflag:$0x1] =	stream.indirect.gather [hbm4b:s10+s13], $0x1, s13, s13, $0xb8;
	[tilespmem:$0x10800] =	vst v63  }
0xc9: {  	_ = 	snop  }
0xca: {  	[tilespmem:s22], [sflag:$0x1] =	stream.indirect.gather [hbm4b:s12+s13], $0x1, s18, s13, $0xb8;
	[tilespmem:$0x10800] =	vst v63  }
0xcb: {  	_ = 	snop  }
0xcc: {  	[tilespmem:s23], [sflag:$0x1] =	stream.indirect.gather [hbm4b:s8+s13], $0x40, s16, s13, $0xb8;
	[tilespmem:$0x10800] =	vst v63  }
0xcd: {  	_ = 	snop  }
0xce: {  	[tilespmem:s24], [sflag:$0x1] =	stream.indirect.gather [hbm4b:s9+s13], $0x40, s17, s13, $0xb8;
	[tilespmem:$0x10800] =	vst v63  }
0xcf: {  	_ = 	snop  }
0xd0: {  	[tilespmem:s25], [sflag:$0x1] =	stream.indirect.gather [hbm4b:s10+s13], $0x1, s16, s13, $0xb8;
	[tilespmem:$0x10800] =	vst v63  }
0xd1: {  	_ = 	snop  }
0xd2: {  	[tilespmem:s26], [sflag:$0x1] =	stream.indirect.gather [hbm4b:s12+s13], $0x1, s17, s13, $0xb8;
	[tilespmem:$0x10800] =	vst v63  }
0xd3: {  	_ = 	snop  }
0xd4: {  	[tilespmem:s28], [sflag:$0x1] =	stream.indirect.gather [hbm4b:s8+s13], $0x40, s14, s13, $0xb8;
	[tilespmem:$0x10800] =	vst v63  }
0xd5: {  	_ = 	snop  }
0xd6: {  	[tilespmem:s29], [sflag:$0x1] =	stream.indirect.gather [hbm4b:s9+s13], $0x40, s15, s13, $0xb8;
	[tilespmem:$0x10800] =	vst v63  }
0xd7: {  	_ = 	snop  }
0xd8: {  	[tilespmem:s30], [sflag:$0x1] =	stream.indirect.gather [hbm4b:s10+s13], $0x1, s14, s13, $0xb8;
	[tilespmem:$0x10800] =	vst v63  }
0xd9: {  	_ = 	snop  }
0xda: {  	[tilespmem:s31], [sflag:$0x1] =	stream.indirect.gather [hbm4b:s12+s13], $0x1, s15, s13, $0xb8;
	[tilespmem:$0x10800] =	vst v63  }
0xdb: {  	_ =	swait.ge [sflag:s11], $0x2000  }
0xdc: {  	[sflag:s11] =	ssyncset.done $0x0  }
0xdd: {  	[sflag:s11] =	ssyncadd.s32 $0xFFFFE000  }
0xde: {  	_ =	swait.ge [sflag:s11], $0x2000  }
0xdf: {  	[sflag:s11] =	ssyncset.done $0x0  }
0xe0: {  	[sflag:s11] =	ssyncadd.s32 $0xFFFFE000  }
0xe1: {  	_ =	swait.ge [sflag:s11], $0x80  }
0xe2: {  	[sflag:s11] =	ssyncset.done $0x0  }
0xe3: {  	[sflag:s11] =	ssyncadd.s32 $0xFFFFFF80  }
0xe4: {  	_ =	swait.ge [sflag:s11], $0x80  }
0xe5: {  	[sflag:s11] =	ssyncset.done $0x0  }
0xe6: {  	[sflag:s11] =	ssyncadd.s32 $0xFFFFFF80  }
0xe7: {  	_ =	swait.ge [sflag:s11], $0x2000  }
0xe8: {  	[sflag:s11] =	ssyncset.done $0x0  }
0xe9: {  	[sflag:s11] =	ssyncadd.s32 $0xFFFFE000  }
0xea: {  	_ =	swait.ge [sflag:s11], $0x2000  }
0xeb: {  	[sflag:s11] =	ssyncset.done $0x0  }
0xec: {  	[sflag:s11] =	ssyncadd.s32 $0xFFFFE000  }
0xed: {  	_ =	swait.ge [sflag:s11], $0x80  }
0xee: {  	[sflag:s11] =	ssyncset.done $0x0  }
0xef: {  	[sflag:s11] =	ssyncadd.s32 $0xFFFFFF80  }
0xf0: {  	_ =	swait.ge [sflag:s11], $0x80  }
0xf1: {  	[sflag:s11] =	ssyncset.done $0x0  }
0xf2: {  	[sflag:s11] =	ssyncadd.s32 $0xFFFFFF80  }
0xf3: {  	_ =	swait.ge [sflag:s11], $0x2000  }
0xf4: {  	[sflag:s11] =	ssyncset.done $0x0  }
0xf5: {  	[sflag:s11] =	ssyncadd.s32 $0xFFFFE000  }
0xf6: {  	_ =	swait.ge [sflag:s11], $0x2000  }
0xf7: {  	[sflag:s11] =	ssyncset.done $0x0  }
0xf8: {  	[sflag:s11] =	ssyncadd.s32 $0xFFFFE000  }
0xf9: {  	_ =	swait.ge [sflag:s11], $0x80  }
0xfa: {  	[sflag:s11] =	ssyncset.done $0x0  }
0xfb: {  	[sflag:s11] =	ssyncadd.s32 $0xFFFFFF80  }
0xfc: {  	_ =	swait.ge [sflag:s11], $0x80  }
0xfd: {  	[sflag:s11] =	ssyncset.done $0x0  }
0xfe: {  	[sflag:s11] =	ssyncadd.s32 $0xFFFFFF80  }
0xff: {  	_ =	swait.ge [sflag:s11], $0x2000  }
0x100: {  	[sflag:s11] =	ssyncset.done $0x0  }
0x101: {  	[sflag:s11] =	ssyncadd.s32 $0xFFFFE000  }
0x102: {  	_ =	swait.ge [sflag:s11], $0x2000  }
0x103: {  	[sflag:s11] =	ssyncset.done $0x0  }
0x104: {  	[sflag:s11] =	ssyncadd.s32 $0xFFFFE000  }
0x105: {  	_ =	swait.ge [sflag:s11], $0x80  }
0x106: {  	[sflag:s11] =	ssyncset.done $0x0  }
0x107: {  	[sflag:s11] =	ssyncadd.s32 $0xFFFFFF80  }
0x108: {  	_ =	swait.ge [sflag:s11], $0x80  }
0x109: {  	[sflag:s11] =	ssyncset.done $0x0  }
0x10a: {  	s0 =	rddreg [dreg:$0xb];
	[sflag:s11] =	ssyncadd.s32 $0xFFFFFF80  }
0x10b: {  	[hbm4b:s0+s2] =	stream.linear.scatter [tilespmem:s7], [sflag:$0x2], $0x8000, $0x38;
	[tilespmem:$0x10800] =	vst v63  }
0x10c: {  	_ =	swait.ge [sflag:s3], $0x8000  }
0x10d: {  	[sflag:s3] =	ssyncset.done $0x0  }
0x10e: {  	s0 =	rddreg [dreg:$0xc];
	[sflag:s3] =	ssyncadd.s32 $0xFFFF8000  }
0x10f: {  	[hbm4b:s0+s2] =	stream.linear.scatter [tilespmem:s6], [sflag:$0x2], $0x8000, $0x38;
	[tilespmem:$0x10800] =	vst v63  }
0x110: {  	_ =	swait.ge [sflag:s3], $0x8000  }
0x111: {  	[sflag:s3] =	ssyncset.done $0x0  }
0x112: {  	s0 =	rddreg [dreg:$0xd];
	[sflag:s3] =	ssyncadd.s32 $0xFFFF8000  }
0x113: {  	[hbm4b:s0+s2] =	stream.linear.scatter [tilespmem:s5], [sflag:$0x2], $0x200, $0x38;
	[tilespmem:$0x10800] =	vst v63  }
0x114: {  	p1 =	sne.s32 s1, $0x1;
	_ =	swait.ge [sflag:s3], $0x200  }
.Ltmp2:
0x115: {  	[sflag:s3] =	ssyncset.done $0x0;
	(pc) =	sbr.rel @p1 .LBB2_2-.Ltmp2, $4  }
0x116: {  	s0 =	rddreg [dreg:$0xe];
	[sflag:s3] =	ssyncadd.s32 $0xFFFFFE00  }
0x117: {  	[hbm4b:s0+s2] =	stream.linear.scatter [tilespmem:s4], [sflag:$0x2], $0x200, $0x38;
	[tilespmem:$0x10800] =	vst v63  }
0x118: {  	_ =	swait.ge [sflag:s3], $0x200  }
0x119: {  	s1 =	sadd.s32 $0xFFFFFFFF, s1;
	s0 =	rddreg [dreg:$0x3];
	[sflag:s3] =	ssyncset.done $0x0  }
.LBB2_3:
0x11a: {  	[sflag:s3] =	ssyncadd.s32 @p0 $0xFFFFFE00  }
0x11b: {  	[tilespmem:s2], [sflag:$0x2] =	stream.linear.gather [hbm4b:s0+s2], $0x80, $0x38;
	[tilespmem:$0x10800] =	vst v63  }
0x11c: {  	_ =	swait.ge [sflag:s3], $0x80  }
0x11d: {  	[sflag:s3] =	ssyncset.done $0x0  }
0x11e: {  	s1 =	rddreg [dreg:$0x4];
	[sflag:s3] =	ssyncadd.s32 $0xFFFFFF80  }
0x11f: {  	[tilespmem:s19], [sflag:$0x2] =	stream.linear.gather [hbm4b:s1+s2], $0x80, $0x38;
	[tilespmem:$0x10800] =	vst v63  }
0x120: {  	_ =	swait.ge [sflag:s3], $0x80  }
0x121: {  	[sflag:s3] =	ssyncset.done $0x0  }
0x122: {  	s1 =	rddreg [dreg:$0x5];
	[sflag:s3] =	ssyncadd.s32 $0xFFFFFF80  }
0x123: {  	[tilespmem:s13], [sflag:$0x2] =	stream.linear.gather [hbm4b:s1+s2], $0x80, $0x38;
	[tilespmem:$0x10800] =	vst v63  }
0x124: {  	_ =	swait.ge [sflag:s3], $0x80  }
0x125: {  	[sflag:s3] =	ssyncset.done $0x0  }
0x126: {  	s1 =	rddreg [dreg:$0x6];
	[sflag:s3] =	ssyncadd.s32 $0xFFFFFF80  }
0x127: {  	[tilespmem:s18], [sflag:$0x2] =	stream.linear.gather [hbm4b:s1+s2], $0x80, $0x38;
	[tilespmem:$0x10800] =	vst v63  }
0x128: {  	_ =	swait.ge [sflag:s3], $0x80  }
0x129: {  	[sflag:s3] =	ssyncset.done $0x0  }
0x12a: {  	s1 =	rddreg [dreg:$0x7];
	[sflag:s3] =	ssyncadd.s32 $0xFFFFFF80  }
0x12b: {  	[tilespmem:s16], [sflag:$0x2] =	stream.linear.gather [hbm4b:s1+s2], $0x80, $0x38;
	[tilespmem:$0x10800] =	vst v63  }
0x12c: {  	_ =	swait.ge [sflag:s3], $0x80  }
0x12d: {  	[sflag:s3] =	ssyncset.done $0x0  }
0x12e: {  	s1 =	rddreg [dreg:$0x8];
	[sflag:s3] =	ssyncadd.s32 $0xFFFFFF80  }
0x12f: {  	[tilespmem:s17], [sflag:$0x2] =	stream.linear.gather [hbm4b:s1+s2], $0x80, $0x38;
	[tilespmem:$0x10800] =	vst v63  }
0x130: {  	_ =	swait.ge [sflag:s3], $0x80  }
0x131: {  	[sflag:s3] =	ssyncset.done $0x0  }
0x132: {  	s1 =	rddreg [dreg:$0x9];
	[sflag:s3] =	ssyncadd.s32 $0xFFFFFF80  }
0x133: {  	[tilespmem:s14], [sflag:$0x2] =	stream.linear.gather [hbm4b:s1+s2], $0x80, $0x38;
	[tilespmem:$0x10800] =	vst v63  }
0x134: {  	_ =	swait.ge [sflag:s3], $0x80  }
0x135: {  	[sflag:s3] =	ssyncset.done $0x0  }
0x136: {  	s1 =	rddreg [dreg:$0xa];
	[sflag:s3] =	ssyncadd.s32 $0xFFFFFF80  }
0x137: {  	[tilespmem:s15], [sflag:$0x2] =	stream.linear.gather [hbm4b:s1+s2], $0x80, $0x38;
	[tilespmem:$0x10800] =	vst v63  }
0x138: {  	_ =	swait.ge [sflag:s3], $0x80  }
0x139: {  	[sflag:s3] =	ssyncset.done $0x0  }
0x13a: {  	[sflag:s3] =	ssyncadd.s32 $0xFFFFFF80  }
0x13b: {  	[tilespmem:s7], [sflag:$0x1] =	stream.indirect.gather [hbm4b:s8+s13], $0x40, s2, s13, $0xb8;
	[tilespmem:$0x10800] =	vst v63  }
0x13c: {  	_ = 	snop  }
0x13d: {  	[tilespmem:s6], [sflag:$0x1] =	stream.indirect.gather [hbm4b:s9+s13], $0x40, s19, s13, $0xb8;
	[tilespmem:$0x10800] =	vst v63  }
0x13e: {  	_ = 	snop  }
0x13f: {  	[tilespmem:s5], [sflag:$0x1] =	stream.indirect.gather [hbm4b:s10+s13], $0x1, s2, s13, $0xb8;
	[tilespmem:$0x10800] =	vst v63  }
0x140: {  	_ = 	snop  }
0x141: {  	[tilespmem:s4], [sflag:$0x1] =	stream.indirect.gather [hbm4b:s12+s13], $0x1, s19, s13, $0xb8;
	[tilespmem:$0x10800] =	vst v63  }
0x142: {  	s1 =	rddreg [dreg:$0xf]  }
0x143: {  	[tilespmem:s1], [sflag:$0x1] =	stream.indirect.gather [hbm4b:s8+s13], $0x40, s13, s13, $0xb8;
	[tilespmem:$0x10800] =	vst v63  }
0x144: {  	_ = 	snop  }
0x145: {  	[tilespmem:s20], [sflag:$0x1] =	stream.indirect.gather [hbm4b:s9+s13], $0x40, s18, s13, $0xb8;
	[tilespmem:$0x10800] =	vst v63  }
0x146: {  	_ = 	snop  }
0x147: {  	[tilespmem:s21], [sflag:$0x1] =	stream.indirect.gather [hbm4b:s10+s13], $0x1, s13, s13, $0xb8;
	[tilespmem:$0x10800] =	vst v63  }
0x148: {  	_ = 	snop  }
0x149: {  	[tilespmem:s22], [sflag:$0x1] =	stream.indirect.gather [hbm4b:s12+s13], $0x1, s18, s13, $0xb8;
	[tilespmem:$0x10800] =	vst v63  }
0x14a: {  	_ = 	snop  }
0x14b: {  	[tilespmem:s23], [sflag:$0x1] =	stream.indirect.gather [hbm4b:s8+s13], $0x40, s16, s13, $0xb8;
	[tilespmem:$0x10800] =	vst v63  }
0x14c: {  	_ = 	snop  }
0x14d: {  	[tilespmem:s24], [sflag:$0x1] =	stream.indirect.gather [hbm4b:s9+s13], $0x40, s17, s13, $0xb8;
	[tilespmem:$0x10800] =	vst v63  }
0x14e: {  	_ = 	snop  }
0x14f: {  	[tilespmem:s25], [sflag:$0x1] =	stream.indirect.gather [hbm4b:s10+s13], $0x1, s16, s13, $0xb8;
	[tilespmem:$0x10800] =	vst v63  }
0x150: {  	_ = 	snop  }
0x151: {  	[tilespmem:s26], [sflag:$0x1] =	stream.indirect.gather [hbm4b:s12+s13], $0x1, s17, s13, $0xb8;
	[tilespmem:$0x10800] =	vst v63  }
0x152: {  	_ = 	snop  }
0x153: {  	[tilespmem:s28], [sflag:$0x1] =	stream.indirect.gather [hbm4b:s8+s13], $0x40, s14, s13, $0xb8;
	[tilespmem:$0x10800] =	vst v63  }
0x154: {  	_ = 	snop  }
0x155: {  	[tilespmem:s29], [sflag:$0x1] =	stream.indirect.gather [hbm4b:s9+s13], $0x40, s15, s13, $0xb8;
	[tilespmem:$0x10800] =	vst v63  }
0x156: {  	_ = 	snop  }
0x157: {  	[tilespmem:s30], [sflag:$0x1] =	stream.indirect.gather [hbm4b:s10+s13], $0x1, s14, s13, $0xb8;
	[tilespmem:$0x10800] =	vst v63  }
0x158: {  	_ = 	snop  }
0x159: {  	[tilespmem:s31], [sflag:$0x1] =	stream.indirect.gather [hbm4b:s12+s13], $0x1, s15, s13, $0xb8;
	[tilespmem:$0x10800] =	vst v63  }
0x15a: {  	_ =	swait.ge [sflag:s11], $0x2000  }
0x15b: {  	[sflag:s11] =	ssyncset.done $0x0  }
0x15c: {  	[sflag:s11] =	ssyncadd.s32 $0xFFFFE000  }
0x15d: {  	_ =	swait.ge [sflag:s11], $0x2000  }
0x15e: {  	[sflag:s11] =	ssyncset.done $0x0  }
0x15f: {  	[sflag:s11] =	ssyncadd.s32 $0xFFFFE000  }
0x160: {  	_ =	swait.ge [sflag:s11], $0x80  }
0x161: {  	[sflag:s11] =	ssyncset.done $0x0  }
0x162: {  	[sflag:s11] =	ssyncadd.s32 $0xFFFFFF80  }
0x163: {  	_ =	swait.ge [sflag:s11], $0x80  }
0x164: {  	[sflag:s11] =	ssyncset.done $0x0  }
0x165: {  	[sflag:s11] =	ssyncadd.s32 $0xFFFFFF80  }
0x166: {  	_ =	swait.ge [sflag:s11], $0x2000  }
0x167: {  	[sflag:s11] =	ssyncset.done $0x0  }
0x168: {  	[sflag:s11] =	ssyncadd.s32 $0xFFFFE000  }
0x169: {  	_ =	swait.ge [sflag:s11], $0x2000  }
0x16a: {  	[sflag:s11] =	ssyncset.done $0x0  }
0x16b: {  	[sflag:s11] =	ssyncadd.s32 $0xFFFFE000  }
0x16c: {  	_ =	swait.ge [sflag:s11], $0x80  }
0x16d: {  	[sflag:s11] =	ssyncset.done $0x0  }
0x16e: {  	[sflag:s11] =	ssyncadd.s32 $0xFFFFFF80  }
0x16f: {  	_ =	swait.ge [sflag:s11], $0x80  }
0x170: {  	[sflag:s11] =	ssyncset.done $0x0  }
0x171: {  	[sflag:s11] =	ssyncadd.s32 $0xFFFFFF80  }
0x172: {  	_ =	swait.ge [sflag:s11], $0x2000  }
0x173: {  	[sflag:s11] =	ssyncset.done $0x0  }
0x174: {  	[sflag:s11] =	ssyncadd.s32 $0xFFFFE000  }
0x175: {  	_ =	swait.ge [sflag:s11], $0x2000  }
0x176: {  	[sflag:s11] =	ssyncset.done $0x0  }
0x177: {  	[sflag:s11] =	ssyncadd.s32 $0xFFFFE000  }
0x178: {  	_ =	swait.ge [sflag:s11], $0x80  }
0x179: {  	[sflag:s11] =	ssyncset.done $0x0  }
0x17a: {  	[sflag:s11] =	ssyncadd.s32 $0xFFFFFF80  }
0x17b: {  	_ =	swait.ge [sflag:s11], $0x80  }
0x17c: {  	[sflag:s11] =	ssyncset.done $0x0  }
0x17d: {  	[sflag:s11] =	ssyncadd.s32 $0xFFFFFF80  }
0x17e: {  	_ =	swait.ge [sflag:s11], $0x2000  }
0x17f: {  	[sflag:s11] =	ssyncset.done $0x0  }
0x180: {  	[sflag:s11] =	ssyncadd.s32 $0xFFFFE000  }
0x181: {  	_ =	swait.ge [sflag:s11], $0x2000  }
0x182: {  	[sflag:s11] =	ssyncset.done $0x0  }
0x183: {  	[sflag:s11] =	ssyncadd.s32 $0xFFFFE000  }
0x184: {  	_ =	swait.ge [sflag:s11], $0x80  }
0x185: {  	[sflag:s11] =	ssyncset.done $0x0  }
0x186: {  	[sflag:s11] =	ssyncadd.s32 $0xFFFFFF80  }
0x187: {  	_ =	swait.ge [sflag:s11], $0x80  }
0x188: {  	[sflag:s11] =	ssyncset.done $0x0  }
0x189: {  	s26 =	rddreg [dreg:$0xb];
	[sflag:s11] =	ssyncadd.s32 $0xFFFFFF80  }
0x18a: {  	[hbm4b:s26+s2] =	stream.linear.scatter [tilespmem:s7], [sflag:$0x2], $0x8000, $0x38;
	[tilespmem:$0x10800] =	vst v63  }
0x18b: {  	_ =	swait.ge [sflag:s3], $0x8000  }
0x18c: {  	[sflag:s3] =	ssyncset.done $0x0  }
0x18d: {  	s28 =	rddreg [dreg:$0xc];
	[sflag:s3] =	ssyncadd.s32 $0xFFFF8000  }
0x18e: {  	[hbm4b:s28+s2] =	stream.linear.scatter [tilespmem:s6], [sflag:$0x2], $0x8000, $0x38;
	[tilespmem:$0x10800] =	vst v63  }
0x18f: {  	_ =	swait.ge [sflag:s3], $0x8000  }
0x190: {  	[sflag:s3] =	ssyncset.done $0x0  }
0x191: {  	s29 =	rddreg [dreg:$0xd];
	[sflag:s3] =	ssyncadd.s32 $0xFFFF8000  }
0x192: {  	[hbm4b:s29+s2] =	stream.linear.scatter [tilespmem:s5], [sflag:$0x2], $0x200, $0x38;
	[tilespmem:$0x10800] =	vst v63  }
0x193: {  	_ =	swait.ge [sflag:s3], $0x200  }
0x194: {  	[sflag:s3] =	ssyncset.done $0x0  }
0x195: {  	s30 =	rddreg [dreg:$0xe];
	[sflag:s3] =	ssyncadd.s32 $0xFFFFFE00  }
0x196: {  	[hbm4b:s30+s2] =	stream.linear.scatter [tilespmem:s4], [sflag:$0x2], $0x200, $0x38;
	[tilespmem:$0x10800] =	vst v63  }
0x197: {  	_ =	swait.ge [sflag:s3], $0x200  }
0x198: {  	[sflag:s3] =	ssyncset.done $0x0  }
0x199: {  	[sflag:s3] =	ssyncadd.s32 $0xFFFFFE00  }
0x19a: {  	_ =	sfence.sel $0x180000  }
0x19b: {  	[bflag:$0x0] =	sbarrier.arrive $0xFFFF  }
0x19c: {  	_ =	strace $0x90000047  }
0x19d: {  	s31 =	stileid.u32;
	[bflag:$0x2] =	sbarrier.arrive $0xFFFF  }
0x19e: {  	p0 =	sne.s32 s31, $0x0;
	s0 =	rddreg [dreg:$0x2]  }
0x19f: {  	s0 =	sadd.s32 @!p0 $0x100000, s0  }
0x1a0: {  	[sflag:s0] =	ssyncadd.tile.s32 @!p0 $0x1;
	_ =	shalt  }
.Lfunc_end2:
_tile_overlayer_lowered:
.L_overlay_start_2:
0x1a1: {  	(tag) =	ssettag $0x2  }
0x1a2: {  	s0 =	rddreg [dreg:$0x0];
	s2 =	stileid.u32  }
0x1a3: {  	s1 =	rddreg [dreg:$0x1];
	p0 =	sne.s32 s2, $0x0  }
0x1a4: {  	s3 =	rddreg [dreg:$0x2];
	[bflag:$0x3] =	sbarrier.arrive $0xFFFF;
	s2 =	simm.s32 @!p0 $0x1C02  }
0x1a5: {  	[timem:s3], [sflag:s2] =	dma.local @!p0 [hbm:s0], s1  }
0x1a6: {  	s0 =	simm.s32 @!p0 $0x2  }
0x1a7: {  	_ =	swait.ge @!p0 [sflag:s0], s1  }
0x1a8: {  	s1 =	ssub.s32 @!p0 $0x0, s1;
	[sflag:s0] =	ssyncset.done @!p0 $0x0  }
0x1a9: {  	[sflag:s0] =	ssyncadd.s32 @!p0 s1  }
0x1aa: {  	[bflag:$0x3] =	sbarrier.arrive $0xFFFF  }
0x1ab: {  	_ =	shalt  }

</sc_bundles>
